<compile_context>
chip_gen: v7x
topology: tpu7x:2x2x1
jax: 0.10.2.dev20260603
libtpu: 0.0.44.dev20260713+nightly
codegen_flags: <defaults>
</compile_context>

<pallas_src>
import functools
import math

import jax
import jax.numpy as jnp
import numpy as np
from jax import lax
from jax.experimental import pallas as pl
from jax.experimental.pallas import tpu as pltpu
from jax.experimental.pallas import tpu_sc as plsc

NLAT = 128
NLON = 256
LMAX = 50
MMAX = 50
K = 5
NPOINT = 8192
NGRID = NLAT * 2 * NLAT
GC = 256
NBLK = NGRID // GC
BIG = 1e30


def _cc_quad(n):
    N = n - 1
    theta = np.pi * np.arange(n) / N
    ks = np.arange(1, N // 2 + 1)[None, :]
    b = np.where(2 * ks == N, 1.0, 2.0)
    s = (b / (4.0 * ks ** 2 - 1.0) * np.cos(2.0 * ks * theta[:, None])).sum(axis=1)
    w = (2.0 / N) * (1.0 - s)
    w[0] *= 0.5
    w[-1] *= 0.5
    return theta, w


def _legpoly(mmax, lmax, t):
    x = np.cos(t)
    nmax = max(mmax, lmax)
    vdm = np.zeros((nmax, nmax, len(t)), dtype=np.float64)
    vdm[0, 0, :] = 1.0 / np.sqrt(4.0 * np.pi)
    for l in range(1, nmax):
        vdm[l - 1, l] = np.sqrt(2 * l + 1) * x * vdm[l - 1, l - 1]
        vdm[l, l] = np.sqrt((2 * l + 1) * (1 + x) * (1 - x) / (2.0 * l)) * vdm[l - 1, l - 1]
    for l in range(2, nmax):
        for m in range(0, l - 1):
            a = np.sqrt((2 * l - 1) / (l - m) * (2 * l + 1) / (l + m))
            bb = np.sqrt((l + m - 1) / (l - m) * (2 * l + 1) / (2 * l - 3) * (l - m - 1) / (l + m))
            vdm[m, l] = x * a * vdm[m, l - 1] - bb * vdm[m, l - 2]
    vdm = vdm[:mmax, :lmax]
    vdm[1::2] = -vdm[1::2]
    return vdm


_th, _wq = _cc_quad(NLAT)
_W = (_legpoly(MMAX, LMAX, _th) * _wq[None, None, :]).astype(np.float32)

_NROW = 2560
_WR = np.zeros((_NROW, NLAT), dtype=np.float32)
_WR[: LMAX * MMAX] = np.transpose(_W, (1, 0, 2)).reshape(LMAX * MMAX, NLAT)
_j = np.arange(NLON)
_m = np.arange(MMAX)
_C = (2.0 * np.pi / NLON) * np.cos(2.0 * np.pi * _m[None, :] * _j[:, None] / NLON)
_CE = np.zeros((_NROW, NLON), dtype=np.float32)
_CE[: LMAX * MMAX] = np.tile(_C.T.astype(np.float32), (LMAX, 1))


def _acos(x):
    ax = jnp.abs(x)
    p = jnp.float32(-0.0012624911)
    for c in (0.0066700901, -0.0170881256, 0.0308918810, -0.0501743046,
              0.0889789874, -0.2145988016, 1.5707963050):
        p = p * ax + jnp.float32(c)
    r = jnp.sqrt(jnp.maximum(1.0 - ax, 0.0)) * p
    return jnp.where(x < 0, jnp.float32(math.pi) - r, r)


def _sph_body(c0_ref, c1_ref, c2_ref, th_ref, ph_ref, r_ref):
    c0 = c0_ref[...]
    c1 = c1_ref[...]
    c2 = c2_ref[...]
    eps = jnp.float32(1e-07)
    one = jnp.float32(1.0)
    r = jnp.sqrt(c0 * c0 + c1 * c1 + c2 * c2)
    n12 = jnp.sqrt(c1 * c1 + c2 * c2)
    th = _acos(jnp.clip(c0 / r, -one + eps, one - eps))
    a = _acos(jnp.clip(c1 / n12, -one + eps, one - eps))
    twopi = jnp.float32(2.0 * math.pi)
    ph = a + (twopi - 2.0 * a) * (c2 < 0).astype(jnp.float32) - jnp.float32(math.pi)
    th_ref[...] = th
    ph_ref[...] = ph
    r_ref[...] = r


SC_ROWS = 28
_NW = 32
_QPW = (2 * SC_ROWS * NLON) // _NW
_GRP = _QPW // 16
_PCHUNK = 16


def _sc_knn_body(th_hbm, ph_hbm, f_hbm, out_hbm, thv, phv, fv, outv):
    wid = lax.axis_index("s") * 2 + lax.axis_index("c")
    b = wid // 16
    qslot = wid % 16
    src = pl.multiple_of(b * NPOINT, 8)
    pltpu.sync_copy(th_hbm.at[pl.ds(src, NPOINT)], thv)
    pltpu.sync_copy(ph_hbm.at[pl.ds(src, NPOINT)], phv)
    pltpu.sync_copy(f_hbm.at[pl.ds(src, NPOINT)], fv)

    step = jnp.float32(math.pi / NLAT)
    iota_f = lax.broadcasted_iota(jnp.int32, (16,), 0).astype(jnp.float32)
    qbase = qslot * _QPW

    def group(g, _):
        q0 = qbase + g * 16
        row = (q0 // NLON).astype(jnp.float32)
        col = (q0 % NLON).astype(jnp.float32) - jnp.float32(NLAT)
        tg = jnp.broadcast_to(row * step, (16,))
        pg = (col + iota_f) * step

        def pass1(c, kd):
            j0 = c * _PCHUNK
            tc_ = thv[pl.ds(j0, _PCHUNK)]
            pc_ = phv[pl.ds(j0, _PCHUNK)]
            for t in range(_PCHUNK):
                tp = jnp.broadcast_to(tc_[t], (16,))
                pp = jnp.broadcast_to(pc_[t], (16,))
                dt = tg - tp
                dp = pg - pp
                v = dt * dt + dp * dp
                nkd = []
                for tcur in kd:
                    nkd.append(jnp.minimum(tcur, v))
                    v = jnp.maximum(tcur, v)
                kd = tuple(nkd)
            return kd

        big = jnp.full((16,), jnp.float32(BIG), jnp.float32)
        kd = lax.fori_loop(0, NPOINT // _PCHUNK, pass1, (big,) * K)
        t5 = kd[K - 1]

        def pass2(c, acc):
            num, den = acc
            j0 = c * _PCHUNK
            tc_ = thv[pl.ds(j0, _PCHUNK)]
            pc_ = phv[pl.ds(j0, _PCHUNK)]
            fc_ = fv[pl.ds(j0, _PCHUNK)]
            for t in range(_PCHUNK):
                tp = jnp.broadcast_to(tc_[t], (16,))
                pp = jnp.broadcast_to(pc_[t], (16,))
                fp = jnp.broadcast_to(fc_[t], (16,))
                dt = tg - tp
                dp = pg - pp
                v = dt * dt + dp * dp
                w = jnp.exp(jnp.float32(-2.0) * v)
                w = jnp.where(v <= t5, w, jnp.float32(0.0))
                num = num + w * fp
                den = den + w
            return (num, den)

        zero = jnp.zeros((16,), jnp.float32)
        num, den = lax.fori_loop(0, NPOINT // _PCHUNK, pass2, (zero, zero))
        outv[pl.ds(g * 16, 16)] = num / den
        return 0

    lax.fori_loop(0, _GRP, group, 0)
    dst = pl.multiple_of(wid * _QPW, 8)
    pltpu.sync_copy(outv, out_hbm.at[pl.ds(dst, _QPW)])


def _knn_body(th_ref, ph_ref, f_ref, out_ref):
    g = pl.program_id(1)
    i0 = SC_ROWS * NLON + g * GC
    gx = (i0 // NLON).astype(jnp.float32)
    step = jnp.float32(math.pi / NLAT)
    tg = gx * step
    pbase = (jnp.float32(i0 % NLON) - jnp.float32(NLAT)) * step
    iota = jax.lax.broadcasted_iota(jnp.int32, (GC, 1), 0).astype(jnp.float32)
    pg = pbase + iota * step

    tp = th_ref[0]
    pp = ph_ref[0]
    fp = f_ref[0]

    dt = tg - tp
    a = dt * dt
    dp = pg - pp
    d2 = a + dp * dp

    w = jnp.exp(jnp.float32(-2.0) * d2) * fp
    wn = jnp.exp(jnp.float32(-2.0) * d2)

    d2w = d2
    for _ in range(K):
        m = jnp.min(d2w, axis=1, keepdims=True)
        d2w = jnp.where(d2w == m, jnp.float32(BIG), d2w)
    sel = d2w >= jnp.float32(BIG)

    numer = jnp.sum(jnp.where(sel, w, 0.0), axis=1)
    denom = jnp.sum(jnp.where(sel, wn, 0.0), axis=1)
    out_ref[0, 0, :] = numer / denom


def _sht_body(x_ref, wr_ref, ce_ref, out_ref):
    x = x_ref[0]
    A = jnp.dot(wr_ref[...], x, preferred_element_type=jnp.float32)
    out_ref[0, 0, :] = jnp.sum(A * ce_ref[...], axis=1)


def kernel(target):
    B = target.shape[0]
    c0 = target[:, :, 0]
    c1 = target[:, :, 1]
    c2 = target[:, :, 2]

    th, ph, r = pl.pallas_call(
        _sph_body,
        out_shape=[jax.ShapeDtypeStruct((B, NPOINT), jnp.float32)] * 3,
    )(c0, c1, c2)

    parts = []
    if SC_ROWS > 0:
        knn_sc = pl.kernel(
            _sc_knn_body,
            mesh=plsc.VectorSubcoreMesh(core_axis_name="c", subcore_axis_name="s"),
            out_type=jax.ShapeDtypeStruct((B * SC_ROWS * NLON,), jnp.float32),
            scratch_types=[
                pltpu.VMEM((NPOINT,), jnp.float32),
                pltpu.VMEM((NPOINT,), jnp.float32),
                pltpu.VMEM((NPOINT,), jnp.float32),
                pltpu.VMEM((_QPW,), jnp.float32),
            ],
        )
        isc = knn_sc(th.reshape(-1), ph.reshape(-1), r.reshape(-1))
        parts.append(isc.reshape(B, SC_ROWS, NLON))
    if SC_ROWS < NLAT:
        th3 = th.reshape(B, 1, NPOINT)
        ph3 = ph.reshape(B, 1, NPOINT)
        f3 = r.reshape(B, 1, NPOINT)
        ntc = (NLAT - SC_ROWS) * NLON // GC
        itc = pl.pallas_call(
            _knn_body,
            grid=(B, ntc),
            in_specs=[
                pl.BlockSpec((1, 1, NPOINT), lambda b, g: (b, 0, 0)),
                pl.BlockSpec((1, 1, NPOINT), lambda b, g: (b, 0, 0)),
                pl.BlockSpec((1, 1, NPOINT), lambda b, g: (b, 0, 0)),
            ],
            out_specs=pl.BlockSpec((1, 1, GC), lambda b, g: (b * ntc + g, 0, 0)),
            out_shape=jax.ShapeDtypeStruct((B * ntc, 1, GC), jnp.float32),
        )(th3, ph3, f3)
        parts.append(itc.reshape(B, NLAT - SC_ROWS, NLON))
    x = parts[0] if len(parts) == 1 else jnp.concatenate(parts, axis=1)

    coeffs = pl.pallas_call(
        _sht_body,
        grid=(B,),
        in_specs=[
            pl.BlockSpec((1, NLAT, NLON), lambda b: (b, 0, 0)),
            pl.BlockSpec((_NROW, NLAT), lambda b: (0, 0)),
            pl.BlockSpec((_NROW, NLON), lambda b: (0, 0)),
        ],
        out_specs=pl.BlockSpec((1, 1, _NROW), lambda b: (b, 0, 0)),
        out_shape=jax.ShapeDtypeStruct((B, 1, _NROW), jnp.float32),
    )(x, jnp.asarray(_WR), jnp.asarray(_CE))

    return coeffs[:, 0, : LMAX * MMAX].reshape(B, LMAX, MMAX)

# --- scband reference (transcript-rebuilt; emitter-appended) ---
"""Pipeline reference for scband-fre-calc-54065048322148 (READ-ONLY COPY).

The authoritative reference and input builder live on the scoring server;
editing this copy changes nothing except your own understanding.
"""

import jax, jax.numpy as jnp
import numpy as np
import math

NLAT = 128
NLON = 256
LMAX = 50
MMAX = 50
K = 5
S2_KNN = 0.5 ** 2
NPOINT = 8192
BATCH = 2
NGRID = NLAT * 2 * NLAT
CHUNK = 1024


def _cc_theta_weights(n):
    # Clenshaw-Curtis quadrature nodes theta_j = j*pi/(n-1) and weights on [-1, 1]
    N = n - 1
    theta = np.pi * np.arange(n) / N
    ks = np.arange(1, N // 2 + 1)[None, :]
    b = np.where(2 * ks == N, 1.0, 2.0)
    s = (b / (4.0 * ks ** 2 - 1.0) * np.cos(2.0 * ks * theta[:, None])).sum(axis=1)
    w = (2.0 / N) * (1.0 - s)
    w[0] *= 0.5
    w[-1] *= 0.5
    return theta, w


def _precompute_legpoly(mmax, lmax, t):
    # orthonormal associated Legendre polynomials (with Condon-Shortley phase)
    x = np.cos(t)
    nmax = max(mmax, lmax)
    vdm = np.zeros((nmax, nmax, len(t)), dtype=np.float64)
    vdm[0, 0, :] = 1.0 / np.sqrt(4.0 * np.pi)
    for l in range(1, nmax):
        vdm[l - 1, l] = np.sqrt(2 * l + 1) * x * vdm[l - 1, l - 1]
        vdm[l, l] = np.sqrt((2 * l + 1) * (1 + x) * (1 - x) / (2.0 * l)) * vdm[l - 1, l - 1]
    for l in range(2, nmax):
        for m in range(0, l - 1):
            a = np.sqrt((2 * l - 1) / (l - m) * (2 * l + 1) / (l + m))
            bb = np.sqrt((l + m - 1) / (l - m) * (2 * l + 1) / (2 * l - 3) * (l - m - 1) / (l + m))
            vdm[m, l] = x * a * vdm[m, l - 1] - bb * vdm[m, l - 2]
    vdm = vdm[:mmax, :lmax]
    vdm[1::2] = -vdm[1::2]
    return vdm


_theta, _w = _cc_theta_weights(NLAT)
_pct = _precompute_legpoly(MMAX, LMAX, _theta)
SHT_WEIGHTS = jnp.asarray((_pct * _w[None, None, :]).astype(np.float32))  # (MMAX, LMAX, NLAT)

_gx, _gy = np.meshgrid(np.arange(NLAT), np.arange(-NLAT, NLAT), indexing='ij')
GRID = jnp.asarray(np.stack([_gx.ravel(), _gy.ravel()], axis=-1).astype(np.float32) / NLAT * np.pi)  # (NGRID, 2)


def to_spherical(coords):
    n = coords.shape[-1]
    r = jnp.linalg.norm(coords, axis=-1, keepdims=True)
    expanded = jnp.broadcast_to(jnp.flip(coords, -1)[..., None, :], coords.shape + (n,))
    phi_norms = jnp.flip(jnp.linalg.norm(jnp.tril(expanded), axis=-1), -1)
    eps = 1e-07
    phi = jnp.arccos(jnp.clip(coords[..., :-2] / phi_norms[..., :-2], -1 + eps, 1 - eps))
    acos_last = jnp.arccos(jnp.clip(coords[..., -2:-1] / phi_norms[..., -2:-1], -1 + eps, 1 - eps))
    phi_final = acos_last + (2 * math.pi - 2 * acos_last) * (coords[..., -1:] < 0).astype(coords.dtype)
    return jnp.transpose(r, (0, 2, 1)), jnp.concatenate([phi, phi_final], axis=-1)


def _forward(target):
    feats, sph = to_spherical(target)          # (B,1,N), (B,N,2)
    sph = sph.at[:, :, 1].add(-math.pi)
    gridc = GRID.reshape(NGRID // CHUNK, CHUNK, 2)

    def knn_one(pts):
        def body(gc):
            d2 = ((gc[:, None, :] - pts[None, :, :]) ** 2).sum(-1)  # (CHUNK, N)
            _, idx = jax.lax.top_k(-d2, K)
            return idx
        return jax.lax.map(body, gridc).reshape(NGRID, K)

    idx = jax.vmap(knn_one)(jax.lax.stop_gradient(sph))       # (B, NGRID, K)
    tmp = jax.vmap(lambda s, i: s[i])(sph, idx)                # (B, NGRID, K, 2)
    dist = ((tmp - GRID[None, :, None, :]) ** 2).sum(-1)       # (B, NGRID, K)
    dist = jnp.exp(-dist / (2.0 * S2_KNN))
    dist = dist / dist.sum(-1, keepdims=True)
    dist = jax.lax.stop_gradient(dist)  # custom autograd returns grad_dist_scaled = None
    fsq = feats[:, 0, :]                                        # (B, N)
    neighbors = jax.vmap(lambda f, i: f[i])(fsq, idx)           # (B, NGRID, K)
    interp = (neighbors * dist).sum(-1)                         # (B, NGRID)
    x = interp.reshape(-1, NLAT, NLON)
    xf = 2.0 * jnp.pi * jnp.fft.rfft(x, axis=-1, norm='forward')
    coeffs_real = jnp.einsum('bkm,mlk->blm', jnp.real(xf)[..., :MMAX], SHT_WEIGHTS)
    return coeffs_real


def setup_inputs(seed: int = 0):
    key = jax.random.key(seed)
    target = jax.random.normal(key, (BATCH, NPOINT, 3), dtype=jnp.float32)
    return {"target": target}


def reference(target):
    return _forward(target)

if __name__ == "__main__":
    import jax
    _d = setup_inputs()
    print(jax.jit(kernel)(*tuple(_d.values())))

</pallas_src>

<mosaic_0001>
#map = affine_map<(d0, d1) -> (0)>
module attributes {stable_mosaic.version = 14 : i64} {
  func.func @_sc_knn_body(%arg0: i32, %arg1: i32, %arg2: memref<16384xf32, #tpu.memory_space<hbm>>, %arg3: memref<16384xf32, #tpu.memory_space<hbm>>, %arg4: memref<16384xf32, #tpu.memory_space<hbm>>, %arg5: memref<14336xf32, #tpu.memory_space<hbm>>, %arg6: memref<8192xf32, #tpu.memory_space<vmem>>, %arg7: memref<8192xf32, #tpu.memory_space<vmem>>, %arg8: memref<8192xf32, #tpu.memory_space<vmem>>, %arg9: memref<448xf32, #tpu.memory_space<vmem>>) attributes {dimension_semantics = [#tpu.dimension_semantics<core_parallel>, #tpu.dimension_semantics<subcore_parallel>], iteration_bounds = array<i64: 2, 16>, scalar_prefetch = 0 : i64, scratch_operands = 4 : i64, tpu.core_type = #tpu.core_type<sc_vector_subcore>, window_params = [{transform_indices = #map}, {transform_indices = #map}, {transform_indices = #map}, {transform_indices = #map}]} {
    %mul3A = arith.constant 2 : i32
    %mul3A_0 = arith.muli %arg1, %mul3A : i32
    %add3A = arith.addi %mul3A_0, %arg0 : i32
    %jit3A = arith.constant 16 : i32
    %div3A = arith.divsi %add3A, %jit3A : i32
    %sign3A = arith.constant 0 : i32
    %sign3A_1 = arith.cmpi sgt, %add3A, %sign3A : i32
    %sign3A_2 = arith.extui %sign3A_1 : i1 to i32
    %sign3A_3 = arith.constant 0 : i32
    %sign3A_4 = arith.cmpi slt, %add3A, %sign3A_3 : i32
    %sign3A_5 = arith.extui %sign3A_4 : i1 to i32
    %sign3A_6 = arith.subi %sign3A_2, %sign3A_5 : i32
    %sign3A_7 = arith.constant 0 : i32
    %sign3A_8 = arith.cmpi sgt, %jit3A, %sign3A_7 : i32
    %sign3A_9 = arith.extui %sign3A_8 : i1 to i32
    %sign3A_10 = arith.constant 0 : i32
    %sign3A_11 = arith.cmpi slt, %jit3A, %sign3A_10 : i32
    %sign3A_12 = arith.extui %sign3A_11 : i1 to i32
    %sign3A_13 = arith.subi %sign3A_9, %sign3A_12 : i32
    %ne3A = arith.cmpi ne, %sign3A_6, %sign3A_13 : i32
    %rem3A = arith.remsi %add3A, %jit3A : i32
    %ne3A_14 = arith.constant 0 : i32
    %ne3A_15 = arith.cmpi ne, %rem3A, %ne3A_14 : i32
    %and3A = arith.andi %ne3A, %ne3A_15 : i1
    %sub3A = arith.constant 1 : i32
    %sub3A_16 = arith.subi %div3A, %sub3A : i32
    %select_n3A = arith.select %and3A, %sub3A_16, %div3A : i32
    %jit3A_17 = arith.constant 16 : i32
    %eq3A = arith.constant 0 : i32
    %eq3A_18 = arith.cmpi eq, %jit3A_17, %eq3A : i32
    %jit3A_19 = arith.constant 1 : i32
    %select_n3A_20 = arith.select %eq3A_18, %jit3A_19, %jit3A_17 : i32
    %rem3A_21 = arith.remsi %add3A, %select_n3A_20 : i32
    %ne3A_22 = arith.constant 0 : i32
    %ne3A_23 = arith.cmpi ne, %rem3A_21, %ne3A_22 : i32
    %lt3A = arith.constant 0 : i32
    %lt3A_24 = arith.cmpi slt, %rem3A_21, %lt3A : i32
    %lt3A_25 = arith.constant 0 : i32
    %lt3A_26 = arith.cmpi slt, %select_n3A_20, %lt3A_25 : i32
    %ne3A_27 = arith.xori %lt3A_24, %lt3A_26 : i1
    %and3A_28 = arith.andi %ne3A_27, %ne3A_23 : i1
    %add3A_29 = arith.addi %rem3A_21, %select_n3A_20 : i32
    %select_n3A_30 = arith.select %and3A_28, %add3A_29, %rem3A_21 : i32
    %mul3A_31 = arith.constant 8192 : i32
    %mul3A_32 = arith.muli %select_n3A, %mul3A_31 : i32
    %multiple_of3A = tpu.assume_multiple %mul3A_32, 8 : i32
    "tpu.region"() ({
      %run_scoped3A = tpu.sem_alloc : memref<!tpu.dma_semaphore, #tpu.memory_space<semaphore_mem>>
      %dma_start3A = tpu.memref_slice %arg2[%multiple_of3A] : memref<16384xf32, #tpu.memory_space<hbm>> -> memref<8192xf32, #tpu.memory_space<hbm>>
      %dma_start3A_45 = tpu.memref_slice %arg2[%multiple_of3A] : memref<16384xf32, #tpu.memory_space<hbm>> -> memref<8192xf32, #tpu.memory_space<hbm>>
      tpu.enqueue_dma source(%dma_start3A_45 : memref<8192xf32, #tpu.memory_space<hbm>>) target(%arg6 : memref<8192xf32, #tpu.memory_space<vmem>>) target_semaphore(%run_scoped3A : memref<!tpu.dma_semaphore, #tpu.memory_space<semaphore_mem>>)
      %dma_wait3A = tpu.memref_slice %arg2[%multiple_of3A] : memref<16384xf32, #tpu.memory_space<hbm>> -> memref<8192xf32, #tpu.memory_space<hbm>>
      %dma_wait3A_46 = tpu.memref_slice %arg2[%multiple_of3A] : memref<16384xf32, #tpu.memory_space<hbm>> -> memref<8192xf32, #tpu.memory_space<hbm>>
      tpu.wait_dma2 semaphore(%run_scoped3A : memref<!tpu.dma_semaphore, #tpu.memory_space<semaphore_mem>>) src(%dma_wait3A_46 : memref<8192xf32, #tpu.memory_space<hbm>>) dst(%arg6 : memref<8192xf32, #tpu.memory_space<vmem>>)
      tpu.yield
    }) : () -> ()
    "tpu.region"() ({
      %run_scoped3A = tpu.sem_alloc : memref<!tpu.dma_semaphore, #tpu.memory_space<semaphore_mem>>
      %dma_start3A = tpu.memref_slice %arg3[%multiple_of3A] : memref<16384xf32, #tpu.memory_space<hbm>> -> memref<8192xf32, #tpu.memory_space<hbm>>
      %dma_start3A_45 = tpu.memref_slice %arg3[%multiple_of3A] : memref<16384xf32, #tpu.memory_space<hbm>> -> memref<8192xf32, #tpu.memory_space<hbm>>
      tpu.enqueue_dma source(%dma_start3A_45 : memref<8192xf32, #tpu.memory_space<hbm>>) target(%arg7 : memref<8192xf32, #tpu.memory_space<vmem>>) target_semaphore(%run_scoped3A : memref<!tpu.dma_semaphore, #tpu.memory_space<semaphore_mem>>)
      %dma_wait3A = tpu.memref_slice %arg3[%multiple_of3A] : memref<16384xf32, #tpu.memory_space<hbm>> -> memref<8192xf32, #tpu.memory_space<hbm>>
      %dma_wait3A_46 = tpu.memref_slice %arg3[%multiple_of3A] : memref<16384xf32, #tpu.memory_space<hbm>> -> memref<8192xf32, #tpu.memory_space<hbm>>
      tpu.wait_dma2 semaphore(%run_scoped3A : memref<!tpu.dma_semaphore, #tpu.memory_space<semaphore_mem>>) src(%dma_wait3A_46 : memref<8192xf32, #tpu.memory_space<hbm>>) dst(%arg7 : memref<8192xf32, #tpu.memory_space<vmem>>)
      tpu.yield
    }) : () -> ()
    "tpu.region"() ({
      %run_scoped3A = tpu.sem_alloc : memref<!tpu.dma_semaphore, #tpu.memory_space<semaphore_mem>>
      %dma_start3A = tpu.memref_slice %arg4[%multiple_of3A] : memref<16384xf32, #tpu.memory_space<hbm>> -> memref<8192xf32, #tpu.memory_space<hbm>>
      %dma_start3A_45 = tpu.memref_slice %arg4[%multiple_of3A] : memref<16384xf32, #tpu.memory_space<hbm>> -> memref<8192xf32, #tpu.memory_space<hbm>>
      tpu.enqueue_dma source(%dma_start3A_45 : memref<8192xf32, #tpu.memory_space<hbm>>) target(%arg8 : memref<8192xf32, #tpu.memory_space<vmem>>) target_semaphore(%run_scoped3A : memref<!tpu.dma_semaphore, #tpu.memory_space<semaphore_mem>>)
      %dma_wait3A = tpu.memref_slice %arg4[%multiple_of3A] : memref<16384xf32, #tpu.memory_space<hbm>> -> memref<8192xf32, #tpu.memory_space<hbm>>
      %dma_wait3A_46 = tpu.memref_slice %arg4[%multiple_of3A] : memref<16384xf32, #tpu.memory_space<hbm>> -> memref<8192xf32, #tpu.memory_space<hbm>>
      tpu.wait_dma2 semaphore(%run_scoped3A : memref<!tpu.dma_semaphore, #tpu.memory_space<semaphore_mem>>) src(%dma_wait3A_46 : memref<8192xf32, #tpu.memory_space<hbm>>) dst(%arg8 : memref<8192xf32, #tpu.memory_space<vmem>>)
      tpu.yield
    }) : () -> ()
    %iota3A = tpu.iota {dimensions = array<i32: 0>} : vector<16xi32>
    %convert_element_type3A = arith.sitofp %iota3A : vector<16xi32> to vector<16xf32>
    %mul3A_33 = arith.constant 448 : i32
    %mul3A_34 = arith.muli %select_n3A_30, %mul3A_33 : i32
    %scan3A = arith.constant 0.0245436933 : f32
    %scan3A_35 = arith.constant 0 : i32
    %scan3A_36 = arith.constant 0 : i32
    %scan3A_37 = arith.constant 28 : i32
    %scan3A_38 = arith.addi %scan3A_36, %scan3A_37 : i32
    %scan3A_39 = arith.constant 1 : i32
    %scan3A_40 = scf.for %scan3A_45 = %scan3A_36 to %scan3A_38 step %scan3A_39 iter_args(%scan3A_46 = %scan3A_35) -> (i32)  : i32 {
      %mul3A_47 = arith.constant 16 : i32
      %mul3A_48 = arith.muli %scan3A_45, %mul3A_47 : i32
      %add3A_49 = arith.addi %mul3A_34, %mul3A_48 : i32
      %jit3A_50 = arith.constant 256 : i32
      %div3A_51 = arith.divsi %add3A_49, %jit3A_50 : i32
      %sign3A_52 = arith.constant 0 : i32
      %sign3A_53 = arith.cmpi sgt, %add3A_49, %sign3A_52 : i32
      %sign3A_54 = arith.extui %sign3A_53 : i1 to i32
      %sign3A_55 = arith.constant 0 : i32
      %sign3A_56 = arith.cmpi slt, %add3A_49, %sign3A_55 : i32
      %sign3A_57 = arith.extui %sign3A_56 : i1 to i32
      %sign3A_58 = arith.subi %sign3A_54, %sign3A_57 : i32
      %sign3A_59 = arith.constant 0 : i32
      %sign3A_60 = arith.cmpi sgt, %jit3A_50, %sign3A_59 : i32
      %sign3A_61 = arith.extui %sign3A_60 : i1 to i32
      %sign3A_62 = arith.constant 0 : i32
      %sign3A_63 = arith.cmpi slt, %jit3A_50, %sign3A_62 : i32
      %sign3A_64 = arith.extui %sign3A_63 : i1 to i32
      %sign3A_65 = arith.subi %sign3A_61, %sign3A_64 : i32
      %ne3A_66 = arith.cmpi ne, %sign3A_58, %sign3A_65 : i32
      %rem3A_67 = arith.remsi %add3A_49, %jit3A_50 : i32
      %ne3A_68 = arith.constant 0 : i32
      %ne3A_69 = arith.cmpi ne, %rem3A_67, %ne3A_68 : i32
      %and3A_70 = arith.andi %ne3A_66, %ne3A_69 : i1
      %sub3A_71 = arith.constant 1 : i32
      %sub3A_72 = arith.subi %div3A_51, %sub3A_71 : i32
      %select_n3A_73 = arith.select %and3A_70, %sub3A_72, %div3A_51 : i32
      %convert_element_type3A_74 = arith.sitofp %select_n3A_73 : i32 to f32
      %jit3A_75 = arith.constant 256 : i32
      %eq3A_76 = arith.constant 0 : i32
      %eq3A_77 = arith.cmpi eq, %jit3A_75, %eq3A_76 : i32
      %jit3A_78 = arith.constant 1 : i32
      %select_n3A_79 = arith.select %eq3A_77, %jit3A_78, %jit3A_75 : i32
      %rem3A_80 = arith.remsi %add3A_49, %select_n3A_79 : i32
      %ne3A_81 = arith.constant 0 : i32
      %ne3A_82 = arith.cmpi ne, %rem3A_80, %ne3A_81 : i32
      %lt3A_83 = arith.constant 0 : i32
      %lt3A_84 = arith.cmpi slt, %rem3A_80, %lt3A_83 : i32
      %lt3A_85 = arith.constant 0 : i32
      %lt3A_86 = arith.cmpi slt, %select_n3A_79, %lt3A_85 : i32
      %ne3A_87 = arith.xori %lt3A_84, %lt3A_86 : i1
      %and3A_88 = arith.andi %ne3A_87, %ne3A_82 : i1
      %add3A_89 = arith.addi %rem3A_80, %select_n3A_79 : i32
      %select_n3A_90 = arith.select %and3A_88, %add3A_89, %rem3A_80 : i32
      %convert_element_type3A_91 = arith.sitofp %select_n3A_90 : i32 to f32
      %sub3A_92 = arith.constant 1.280000e+02 : f32
      %sub3A_93 = arith.subf %convert_element_type3A_91, %sub3A_92 : f32
      %mul3A_94 = arith.mulf %convert_element_type3A_74, %scan3A : f32
      %broadcast_in_dim3A = vector.broadcast %mul3A_94 : f32 to vector<16xf32>
      %add3A_95 = vector.broadcast %sub3A_93 : f32 to vector<16xf32>
      %add3A_96 = arith.addf %add3A_95, %convert_element_type3A : vector<16xf32>
      %mul3A_97 = vector.broadcast %scan3A : f32 to vector<16xf32>
      %mul3A_98 = arith.mulf %add3A_96, %mul3A_97 : vector<16xf32>
      %broadcast_in_dim3A_99 = arith.constant 1.000000e+30 : f32
      %broadcast_in_dim3A_100 = vector.broadcast %broadcast_in_dim3A_99 : f32 to vector<16xf32>
      %scan3A_101 = arith.constant 0 : i32
      %scan3A_102 = arith.constant 512 : i32
      %scan3A_103 = arith.addi %scan3A_101, %scan3A_102 : i32
      %scan3A_104 = arith.constant 1 : i32
      %scan3A_105:5 = scf.for %scan3A_122 = %scan3A_101 to %scan3A_103 step %scan3A_104 iter_args(%scan3A_123 = %broadcast_in_dim3A_100, %scan3A_124 = %broadcast_in_dim3A_100, %scan3A_125 = %broadcast_in_dim3A_100, %scan3A_126 = %broadcast_in_dim3A_100, %scan3A_127 = %broadcast_in_dim3A_100) -> (vector<16xf32>, vector<16xf32>, vector<16xf32>, vector<16xf32>, vector<16xf32>)  : i32 {
        %mul3A_128 = arith.constant 16 : i32
        %mul3A_129 = arith.muli %scan3A_122, %mul3A_128 : i32
        %get3A = arith.index_cast %mul3A_129 : i32 to index
        %get3A_130 = tpu.vector_load %arg6[%get3A] {strides = array<i32>} : memref<8192xf32, #tpu.memory_space<vmem>>, vector<16xf32>,
        %get3A_131 = vector.shape_cast %get3A_130 : vector<16xf32> to vector<16xf32>
        %get3A_132 = arith.index_cast %mul3A_129 : i32 to index
        %get3A_133 = tpu.vector_load %arg7[%get3A_132] {strides = array<i32>} : memref<8192xf32, #tpu.memory_space<vmem>>, vector<16xf32>,
        %get3A_134 = vector.shape_cast %get3A_133 : vector<16xf32> to vector<16xf32>
        %slice3A = vector.extract_strided_slice %get3A_131 {offsets = [0], sizes = [1], strides = [1]} : vector<16xf32> to vector<1xf32>
        %squeeze3A = vector.extract %slice3A[0] : f32 from vector<1xf32>
        %broadcast_in_dim3A_135 = vector.broadcast %squeeze3A : f32 to vector<16xf32>
        %slice3A_136 = vector.extract_strided_slice %get3A_134 {offsets = [0], sizes = [1], strides = [1]} : vector<16xf32> to vector<1xf32>
        %squeeze3A_137 = vector.extract %slice3A_136[0] : f32 from vector<1xf32>
        %broadcast_in_dim3A_138 = vector.broadcast %squeeze3A_137 : f32 to vector<16xf32>
        %sub3A_139 = arith.subf %broadcast_in_dim3A, %broadcast_in_dim3A_135 : vector<16xf32>
        %sub3A_140 = arith.subf %mul3A_98, %broadcast_in_dim3A_138 : vector<16xf32>
        %mul3A_141 = arith.mulf %sub3A_139, %sub3A_139 : vector<16xf32>
        %mul3A_142 = arith.mulf %sub3A_140, %sub3A_140 : vector<16xf32>
        %add3A_143 = arith.addf %mul3A_141, %mul3A_142 : vector<16xf32>
        %min3A = arith.minimumf %scan3A_123, %add3A_143 : vector<16xf32>
        %max3A = arith.maximumf %scan3A_123, %add3A_143 : vector<16xf32>
        %min3A_144 = arith.minimumf %scan3A_124, %max3A : vector<16xf32>
        %max3A_145 = arith.maximumf %scan3A_124, %max3A : vector<16xf32>
        %min3A_146 = arith.minimumf %scan3A_125, %max3A_145 : vector<16xf32>
        %max3A_147 = arith.maximumf %scan3A_125, %max3A_145 : vector<16xf32>
        %min3A_148 = arith.minimumf %scan3A_126, %max3A_147 : vector<16xf32>
        %max3A_149 = arith.maximumf %scan3A_126, %max3A_147 : vector<16xf32>
        %min3A_150 = arith.minimumf %scan3A_127, %max3A_149 : vector<16xf32>
        %max3A_151 = arith.maximumf %scan3A_127, %max3A_149 : vector<16xf32>
        %slice3A_152 = vector.extract_strided_slice %get3A_131 {offsets = [1], sizes = [1], strides = [1]} : vector<16xf32> to vector<1xf32>
        %squeeze3A_153 = vector.extract %slice3A_152[0] : f32 from vector<1xf32>
        %broadcast_in_dim3A_154 = vector.broadcast %squeeze3A_153 : f32 to vector<16xf32>
        %slice3A_155 = vector.extract_strided_slice %get3A_134 {offsets = [1], sizes = [1], strides = [1]} : vector<16xf32> to vector<1xf32>
        %squeeze3A_156 = vector.extract %slice3A_155[0] : f32 from vector<1xf32>
        %broadcast_in_dim3A_157 = vector.broadcast %squeeze3A_156 : f32 to vector<16xf32>
        %sub3A_158 = arith.subf %broadcast_in_dim3A, %broadcast_in_dim3A_154 : vector<16xf32>
        %sub3A_159 = arith.subf %mul3A_98, %broadcast_in_dim3A_157 : vector<16xf32>
        %mul3A_160 = arith.mulf %sub3A_158, %sub3A_158 : vector<16xf32>
        %mul3A_161 = arith.mulf %sub3A_159, %sub3A_159 : vector<16xf32>
        %add3A_162 = arith.addf %mul3A_160, %mul3A_161 : vector<16xf32>
        %min3A_163 = arith.minimumf %min3A, %add3A_162 : vector<16xf32>
        %max3A_164 = arith.maximumf %min3A, %add3A_162 : vector<16xf32>
        %min3A_165 = arith.minimumf %min3A_144, %max3A_164 : vector<16xf32>
        %max3A_166 = arith.maximumf %min3A_144, %max3A_164 : vector<16xf32>
        %min3A_167 = arith.minimumf %min3A_146, %max3A_166 : vector<16xf32>
        %max3A_168 = arith.maximumf %min3A_146, %max3A_166 : vector<16xf32>
        %min3A_169 = arith.minimumf %min3A_148, %max3A_168 : vector<16xf32>
        %max3A_170 = arith.maximumf %min3A_148, %max3A_168 : vector<16xf32>
        %min3A_171 = arith.minimumf %min3A_150, %max3A_170 : vector<16xf32>
        %max3A_172 = arith.maximumf %min3A_150, %max3A_170 : vector<16xf32>
        %slice3A_173 = vector.extract_strided_slice %get3A_131 {offsets = [2], sizes = [1], strides = [1]} : vector<16xf32> to vector<1xf32>
        %squeeze3A_174 = vector.extract %slice3A_173[0] : f32 from vector<1xf32>
        %broadcast_in_dim3A_175 = vector.broadcast %squeeze3A_174 : f32 to vector<16xf32>
        %slice3A_176 = vector.extract_strided_slice %get3A_134 {offsets = [2], sizes = [1], strides = [1]} : vector<16xf32> to vector<1xf32>
        %squeeze3A_177 = vector.extract %slice3A_176[0] : f32 from vector<1xf32>
        %broadcast_in_dim3A_178 = vector.broadcast %squeeze3A_177 : f32 to vector<16xf32>
        %sub3A_179 = arith.subf %broadcast_in_dim3A, %broadcast_in_dim3A_175 : vector<16xf32>
        %sub3A_180 = arith.subf %mul3A_98, %broadcast_in_dim3A_178 : vector<16xf32>
        %mul3A_181 = arith.mulf %sub3A_179, %sub3A_179 : vector<16xf32>
        %mul3A_182 = arith.mulf %sub3A_180, %sub3A_180 : vector<16xf32>
        %add3A_183 = arith.addf %mul3A_181, %mul3A_182 : vector<16xf32>
        %min3A_184 = arith.minimumf %min3A_163, %add3A_183 : vector<16xf32>
        %max3A_185 = arith.maximumf %min3A_163, %add3A_183 : vector<16xf32>
        %min3A_186 = arith.minimumf %min3A_165, %max3A_185 : vector<16xf32>
        %max3A_187 = arith.maximumf %min3A_165, %max3A_185 : vector<16xf32>
        %min3A_188 = arith.minimumf %min3A_167, %max3A_187 : vector<16xf32>
        %max3A_189 = arith.maximumf %min3A_167, %max3A_187 : vector<16xf32>
        %min3A_190 = arith.minimumf %min3A_169, %max3A_189 : vector<16xf32>
        %max3A_191 = arith.maximumf %min3A_169, %max3A_189 : vector<16xf32>
        %min3A_192 = arith.minimumf %min3A_171, %max3A_191 : vector<16xf32>
        %max3A_193 = arith.maximumf %min3A_171, %max3A_191 : vector<16xf32>
        %slice3A_194 = vector.extract_strided_slice %get3A_131 {offsets = [3], sizes = [1], strides = [1]} : vector<16xf32> to vector<1xf32>
        %squeeze3A_195 = vector.extract %slice3A_194[0] : f32 from vector<1xf32>
        %broadcast_in_dim3A_196 = vector.broadcast %squeeze3A_195 : f32 to vector<16xf32>
        %slice3A_197 = vector.extract_strided_slice %get3A_134 {offsets = [3], sizes = [1], strides = [1]} : vector<16xf32> to vector<1xf32>
        %squeeze3A_198 = vector.extract %slice3A_197[0] : f32 from vector<1xf32>
        %broadcast_in_dim3A_199 = vector.broadcast %squeeze3A_198 : f32 to vector<16xf32>
        %sub3A_200 = arith.subf %broadcast_in_dim3A, %broadcast_in_dim3A_196 : vector<16xf32>
        %sub3A_201 = arith.subf %mul3A_98, %broadcast_in_dim3A_199 : vector<16xf32>
        %mul3A_202 = arith.mulf %sub3A_200, %sub3A_200 : vector<16xf32>
        %mul3A_203 = arith.mulf %sub3A_201, %sub3A_201 : vector<16xf32>
        %add3A_204 = arith.addf %mul3A_202, %mul3A_203 : vector<16xf32>
        %min3A_205 = arith.minimumf %min3A_184, %add3A_204 : vector<16xf32>
        %max3A_206 = arith.maximumf %min3A_184, %add3A_204 : vector<16xf32>
        %min3A_207 = arith.minimumf %min3A_186, %max3A_206 : vector<16xf32>
        %max3A_208 = arith.maximumf %min3A_186, %max3A_206 : vector<16xf32>
        %min3A_209 = arith.minimumf %min3A_188, %max3A_208 : vector<16xf32>
        %max3A_210 = arith.maximumf %min3A_188, %max3A_208 : vector<16xf32>
        %min3A_211 = arith.minimumf %min3A_190, %max3A_210 : vector<16xf32>
        %max3A_212 = arith.maximumf %min3A_190, %max3A_210 : vector<16xf32>
        %min3A_213 = arith.minimumf %min3A_192, %max3A_212 : vector<16xf32>
        %max3A_214 = arith.maximumf %min3A_192, %max3A_212 : vector<16xf32>
        %slice3A_215 = vector.extract_strided_slice %get3A_131 {offsets = [4], sizes = [1], strides = [1]} : vector<16xf32> to vector<1xf32>
        %squeeze3A_216 = vector.extract %slice3A_215[0] : f32 from vector<1xf32>
        %broadcast_in_dim3A_217 = vector.broadcast %squeeze3A_216 : f32 to vector<16xf32>
        %slice3A_218 = vector.extract_strided_slice %get3A_134 {offsets = [4], sizes = [1], strides = [1]} : vector<16xf32> to vector<1xf32>
        %squeeze3A_219 = vector.extract %slice3A_218[0] : f32 from vector<1xf32>
        %broadcast_in_dim3A_220 = vector.broadcast %squeeze3A_219 : f32 to vector<16xf32>
        %sub3A_221 = arith.subf %broadcast_in_dim3A, %broadcast_in_dim3A_217 : vector<16xf32>
        %sub3A_222 = arith.subf %mul3A_98, %broadcast_in_dim3A_220 : vector<16xf32>
        %mul3A_223 = arith.mulf %sub3A_221, %sub3A_221 : vector<16xf32>
        %mul3A_224 = arith.mulf %sub3A_222, %sub3A_222 : vector<16xf32>
        %add3A_225 = arith.addf %mul3A_223, %mul3A_224 : vector<16xf32>
        %min3A_226 = arith.minimumf %min3A_205, %add3A_225 : vector<16xf32>
        %max3A_227 = arith.maximumf %min3A_205, %add3A_225 : vector<16xf32>
        %min3A_228 = arith.minimumf %min3A_207, %max3A_227 : vector<16xf32>
        %max3A_229 = arith.maximumf %min3A_207, %max3A_227 : vector<16xf32>
        %min3A_230 = arith.minimumf %min3A_209, %max3A_229 : vector<16xf32>
        %max3A_231 = arith.maximumf %min3A_209, %max3A_229 : vector<16xf32>
        %min3A_232 = arith.minimumf %min3A_211, %max3A_231 : vector<16xf32>
        %max3A_233 = arith.maximumf %min3A_211, %max3A_231 : vector<16xf32>
        %min3A_234 = arith.minimumf %min3A_213, %max3A_233 : vector<16xf32>
        %max3A_235 = arith.maximumf %min3A_213, %max3A_233 : vector<16xf32>
        %slice3A_236 = vector.extract_strided_slice %get3A_131 {offsets = [5], sizes = [1], strides = [1]} : vector<16xf32> to vector<1xf32>
        %squeeze3A_237 = vector.extract %slice3A_236[0] : f32 from vector<1xf32>
        %broadcast_in_dim3A_238 = vector.broadcast %squeeze3A_237 : f32 to vector<16xf32>
        %slice3A_239 = vector.extract_strided_slice %get3A_134 {offsets = [5], sizes = [1], strides = [1]} : vector<16xf32> to vector<1xf32>
        %squeeze3A_240 = vector.extract %slice3A_239[0] : f32 from vector<1xf32>
        %broadcast_in_dim3A_241 = vector.broadcast %squeeze3A_240 : f32 to vector<16xf32>
        %sub3A_242 = arith.subf %broadcast_in_dim3A, %broadcast_in_dim3A_238 : vector<16xf32>
        %sub3A_243 = arith.subf %mul3A_98, %broadcast_in_dim3A_241 : vector<16xf32>
        %mul3A_244 = arith.mulf %sub3A_242, %sub3A_242 : vector<16xf32>
        %mul3A_245 = arith.mulf %sub3A_243, %sub3A_243 : vector<16xf32>
        %add3A_246 = arith.addf %mul3A_244, %mul3A_245 : vector<16xf32>
        %min3A_247 = arith.minimumf %min3A_226, %add3A_246 : vector<16xf32>
        %max3A_248 = arith.maximumf %min3A_226, %add3A_246 : vector<16xf32>
        %min3A_249 = arith.minimumf %min3A_228, %max3A_248 : vector<16xf32>
        %max3A_250 = arith.maximumf %min3A_228, %max3A_248 : vector<16xf32>
        %min3A_251 = arith.minimumf %min3A_230, %max3A_250 : vector<16xf32>
        %max3A_252 = arith.maximumf %min3A_230, %max3A_250 : vector<16xf32>
        %min3A_253 = arith.minimumf %min3A_232, %max3A_252 : vector<16xf32>
        %max3A_254 = arith.maximumf %min3A_232, %max3A_252 : vector<16xf32>
        %min3A_255 = arith.minimumf %min3A_234, %max3A_254 : vector<16xf32>
        %max3A_256 = arith.maximumf %min3A_234, %max3A_254 : vector<16xf32>
        %slice3A_257 = vector.extract_strided_slice %get3A_131 {offsets = [6], sizes = [1], strides = [1]} : vector<16xf32> to vector<1xf32>
        %squeeze3A_258 = vector.extract %slice3A_257[0] : f32 from vector<1xf32>
        %broadcast_in_dim3A_259 = vector.broadcast %squeeze3A_258 : f32 to vector<16xf32>
        %slice3A_260 = vector.extract_strided_slice %get3A_134 {offsets = [6], sizes = [1], strides = [1]} : vector<16xf32> to vector<1xf32>
        %squeeze3A_261 = vector.extract %slice3A_260[0] : f32 from vector<1xf32>
        %broadcast_in_dim3A_262 = vector.broadcast %squeeze3A_261 : f32 to vector<16xf32>
        %sub3A_263 = arith.subf %broadcast_in_dim3A, %broadcast_in_dim3A_259 : vector<16xf32>
        %sub3A_264 = arith.subf %mul3A_98, %broadcast_in_dim3A_262 : vector<16xf32>
        %mul3A_265 = arith.mulf %sub3A_263, %sub3A_263 : vector<16xf32>
        %mul3A_266 = arith.mulf %sub3A_264, %sub3A_264 : vector<16xf32>
        %add3A_267 = arith.addf %mul3A_265, %mul3A_266 : vector<16xf32>
        %min3A_268 = arith.minimumf %min3A_247, %add3A_267 : vector<16xf32>
        %max3A_269 = arith.maximumf %min3A_247, %add3A_267 : vector<16xf32>
        %min3A_270 = arith.minimumf %min3A_249, %max3A_269 : vector<16xf32>
        %max3A_271 = arith.maximumf %min3A_249, %max3A_269 : vector<16xf32>
        %min3A_272 = arith.minimumf %min3A_251, %max3A_271 : vector<16xf32>
        %max3A_273 = arith.maximumf %min3A_251, %max3A_271 : vector<16xf32>
        %min3A_274 = arith.minimumf %min3A_253, %max3A_273 : vector<16xf32>
        %max3A_275 = arith.maximumf %min3A_253, %max3A_273 : vector<16xf32>
        %min3A_276 = arith.minimumf %min3A_255, %max3A_275 : vector<16xf32>
        %max3A_277 = arith.maximumf %min3A_255, %max3A_275 : vector<16xf32>
        %slice3A_278 = vector.extract_strided_slice %get3A_131 {offsets = [7], sizes = [1], strides = [1]} : vector<16xf32> to vector<1xf32>
        %squeeze3A_279 = vector.extract %slice3A_278[0] : f32 from vector<1xf32>
        %broadcast_in_dim3A_280 = vector.broadcast %squeeze3A_279 : f32 to vector<16xf32>
        %slice3A_281 = vector.extract_strided_slice %get3A_134 {offsets = [7], sizes = [1], strides = [1]} : vector<16xf32> to vector<1xf32>
        %squeeze3A_282 = vector.extract %slice3A_281[0] : f32 from vector<1xf32>
        %broadcast_in_dim3A_283 = vector.broadcast %squeeze3A_282 : f32 to vector<16xf32>
        %sub3A_284 = arith.subf %broadcast_in_dim3A, %broadcast_in_dim3A_280 : vector<16xf32>
        %sub3A_285 = arith.subf %mul3A_98, %broadcast_in_dim3A_283 : vector<16xf32>
        %mul3A_286 = arith.mulf %sub3A_284, %sub3A_284 : vector<16xf32>
        %mul3A_287 = arith.mulf %sub3A_285, %sub3A_285 : vector<16xf32>
        %add3A_288 = arith.addf %mul3A_286, %mul3A_287 : vector<16xf32>
        %min3A_289 = arith.minimumf %min3A_268, %add3A_288 : vector<16xf32>
        %max3A_290 = arith.maximumf %min3A_268, %add3A_288 : vector<16xf32>
        %min3A_291 = arith.minimumf %min3A_270, %max3A_290 : vector<16xf32>
        %max3A_292 = arith.maximumf %min3A_270, %max3A_290 : vector<16xf32>
        %min3A_293 = arith.minimumf %min3A_272, %max3A_292 : vector<16xf32>
        %max3A_294 = arith.maximumf %min3A_272, %max3A_292 : vector<16xf32>
        %min3A_295 = arith.minimumf %min3A_274, %max3A_294 : vector<16xf32>
        %max3A_296 = arith.maximumf %min3A_274, %max3A_294 : vector<16xf32>
        %min3A_297 = arith.minimumf %min3A_276, %max3A_296 : vector<16xf32>
        %max3A_298 = arith.maximumf %min3A_276, %max3A_296 : vector<16xf32>
        %slice3A_299 = vector.extract_strided_slice %get3A_131 {offsets = [8], sizes = [1], strides = [1]} : vector<16xf32> to vector<1xf32>
        %squeeze3A_300 = vector.extract %slice3A_299[0] : f32 from vector<1xf32>
        %broadcast_in_dim3A_301 = vector.broadcast %squeeze3A_300 : f32 to vector<16xf32>
        %slice3A_302 = vector.extract_strided_slice %get3A_134 {offsets = [8], sizes = [1], strides = [1]} : vector<16xf32> to vector<1xf32>
        %squeeze3A_303 = vector.extract %slice3A_302[0] : f32 from vector<1xf32>
        %broadcast_in_dim3A_304 = vector.broadcast %squeeze3A_303 : f32 to vector<16xf32>
        %sub3A_305 = arith.subf %broadcast_in_dim3A, %broadcast_in_dim3A_301 : vector<16xf32>
        %sub3A_306 = arith.subf %mul3A_98, %broadcast_in_dim3A_304 : vector<16xf32>
        %mul3A_307 = arith.mulf %sub3A_305, %sub3A_305 : vector<16xf32>
        %mul3A_308 = arith.mulf %sub3A_306, %sub3A_306 : vector<16xf32>
        %add3A_309 = arith.addf %mul3A_307, %mul3A_308 : vector<16xf32>
        %min3A_310 = arith.minimumf %min3A_289, %add3A_309 : vector<16xf32>
        %max3A_311 = arith.maximumf %min3A_289, %add3A_309 : vector<16xf32>
        %min3A_312 = arith.minimumf %min3A_291, %max3A_311 : vector<16xf32>
        %max3A_313 = arith.maximumf %min3A_291, %max3A_311 : vector<16xf32>
        %min3A_314 = arith.minimumf %min3A_293, %max3A_313 : vector<16xf32>
        %max3A_315 = arith.maximumf %min3A_293, %max3A_313 : vector<16xf32>
        %min3A_316 = arith.minimumf %min3A_295, %max3A_315 : vector<16xf32>
        %max3A_317 = arith.maximumf %min3A_295, %max3A_315 : vector<16xf32>
        %min3A_318 = arith.minimumf %min3A_297, %max3A_317 : vector<16xf32>
        %max3A_319 = arith.maximumf %min3A_297, %max3A_317 : vector<16xf32>
        %slice3A_320 = vector.extract_strided_slice %get3A_131 {offsets = [9], sizes = [1], strides = [1]} : vector<16xf32> to vector<1xf32>
        %squeeze3A_321 = vector.extract %slice3A_320[0] : f32 from vector<1xf32>
        %broadcast_in_dim3A_322 = vector.broadcast %squeeze3A_321 : f32 to vector<16xf32>
        %slice3A_323 = vector.extract_strided_slice %get3A_134 {offsets = [9], sizes = [1], strides = [1]} : vector<16xf32> to vector<1xf32>
        %squeeze3A_324 = vector.extract %slice3A_323[0] : f32 from vector<1xf32>
        %broadcast_in_dim3A_325 = vector.broadcast %squeeze3A_324 : f32 to vector<16xf32>
        %sub3A_326 = arith.subf %broadcast_in_dim3A, %broadcast_in_dim3A_322 : vector<16xf32>
        %sub3A_327 = arith.subf %mul3A_98, %broadcast_in_dim3A_325 : vector<16xf32>
        %mul3A_328 = arith.mulf %sub3A_326, %sub3A_326 : vector<16xf32>
        %mul3A_329 = arith.mulf %sub3A_327, %sub3A_327 : vector<16xf32>
        %add3A_330 = arith.addf %mul3A_328, %mul3A_329 : vector<16xf32>
        %min3A_331 = arith.minimumf %min3A_310, %add3A_330 : vector<16xf32>
        %max3A_332 = arith.maximumf %min3A_310, %add3A_330 : vector<16xf32>
        %min3A_333 = arith.minimumf %min3A_312, %max3A_332 : vector<16xf32>
        %max3A_334 = arith.maximumf %min3A_312, %max3A_332 : vector<16xf32>
        %min3A_335 = arith.minimumf %min3A_314, %max3A_334 : vector<16xf32>
        %max3A_336 = arith.maximumf %min3A_314, %max3A_334 : vector<16xf32>
        %min3A_337 = arith.minimumf %min3A_316, %max3A_336 : vector<16xf32>
        %max3A_338 = arith.maximumf %min3A_316, %max3A_336 : vector<16xf32>
        %min3A_339 = arith.minimumf %min3A_318, %max3A_338 : vector<16xf32>
        %max3A_340 = arith.maximumf %min3A_318, %max3A_338 : vector<16xf32>
        %slice3A_341 = vector.extract_strided_slice %get3A_131 {offsets = [10], sizes = [1], strides = [1]} : vector<16xf32> to vector<1xf32>
        %squeeze3A_342 = vector.extract %slice3A_341[0] : f32 from vector<1xf32>
        %broadcast_in_dim3A_343 = vector.broadcast %squeeze3A_342 : f32 to vector<16xf32>
        %slice3A_344 = vector.extract_strided_slice %get3A_134 {offsets = [10], sizes = [1], strides = [1]} : vector<16xf32> to vector<1xf32>
        %squeeze3A_345 = vector.extract %slice3A_344[0] : f32 from vector<1xf32>
        %broadcast_in_dim3A_346 = vector.broadcast %squeeze3A_345 : f32 to vector<16xf32>
        %sub3A_347 = arith.subf %broadcast_in_dim3A, %broadcast_in_dim3A_343 : vector<16xf32>
        %sub3A_348 = arith.subf %mul3A_98, %broadcast_in_dim3A_346 : vector<16xf32>
        %mul3A_349 = arith.mulf %sub3A_347, %sub3A_347 : vector<16xf32>
        %mul3A_350 = arith.mulf %sub3A_348, %sub3A_348 : vector<16xf32>
        %add3A_351 = arith.addf %mul3A_349, %mul3A_350 : vector<16xf32>
        %min3A_352 = arith.minimumf %min3A_331, %add3A_351 : vector<16xf32>
        %max3A_353 = arith.maximumf %min3A_331, %add3A_351 : vector<16xf32>
        %min3A_354 = arith.minimumf %min3A_333, %max3A_353 : vector<16xf32>
        %max3A_355 = arith.maximumf %min3A_333, %max3A_353 : vector<16xf32>
        %min3A_356 = arith.minimumf %min3A_335, %max3A_355 : vector<16xf32>
        %max3A_357 = arith.maximumf %min3A_335, %max3A_355 : vector<16xf32>
        %min3A_358 = arith.minimumf %min3A_337, %max3A_357 : vector<16xf32>
        %max3A_359 = arith.maximumf %min3A_337, %max3A_357 : vector<16xf32>
        %min3A_360 = arith.minimumf %min3A_339, %max3A_359 : vector<16xf32>
        %max3A_361 = arith.maximumf %min3A_339, %max3A_359 : vector<16xf32>
        %slice3A_362 = vector.extract_strided_slice %get3A_131 {offsets = [11], sizes = [1], strides = [1]} : vector<16xf32> to vector<1xf32>
        %squeeze3A_363 = vector.extract %slice3A_362[0] : f32 from vector<1xf32>
        %broadcast_in_dim3A_364 = vector.broadcast %squeeze3A_363 : f32 to vector<16xf32>
        %slice3A_365 = vector.extract_strided_slice %get3A_134 {offsets = [11], sizes = [1], strides = [1]} : vector<16xf32> to vector<1xf32>
        %squeeze3A_366 = vector.extract %slice3A_365[0] : f32 from vector<1xf32>
        %broadcast_in_dim3A_367 = vector.broadcast %squeeze3A_366 : f32 to vector<16xf32>
        %sub3A_368 = arith.subf %broadcast_in_dim3A, %broadcast_in_dim3A_364 : vector<16xf32>
        %sub3A_369 = arith.subf %mul3A_98, %broadcast_in_dim3A_367 : vector<16xf32>
        %mul3A_370 = arith.mulf %sub3A_368, %sub3A_368 : vector<16xf32>
        %mul3A_371 = arith.mulf %sub3A_369, %sub3A_369 : vector<16xf32>
        %add3A_372 = arith.addf %mul3A_370, %mul3A_371 : vector<16xf32>
        %min3A_373 = arith.minimumf %min3A_352, %add3A_372 : vector<16xf32>
        %max3A_374 = arith.maximumf %min3A_352, %add3A_372 : vector<16xf32>
        %min3A_375 = arith.minimumf %min3A_354, %max3A_374 : vector<16xf32>
        %max3A_376 = arith.maximumf %min3A_354, %max3A_374 : vector<16xf32>
        %min3A_377 = arith.minimumf %min3A_356, %max3A_376 : vector<16xf32>
        %max3A_378 = arith.maximumf %min3A_356, %max3A_376 : vector<16xf32>
        %min3A_379 = arith.minimumf %min3A_358, %max3A_378 : vector<16xf32>
        %max3A_380 = arith.maximumf %min3A_358, %max3A_378 : vector<16xf32>
        %min3A_381 = arith.minimumf %min3A_360, %max3A_380 : vector<16xf32>
        %max3A_382 = arith.maximumf %min3A_360, %max3A_380 : vector<16xf32>
        %slice3A_383 = vector.extract_strided_slice %get3A_131 {offsets = [12], sizes = [1], strides = [1]} : vector<16xf32> to vector<1xf32>
        %squeeze3A_384 = vector.extract %slice3A_383[0] : f32 from vector<1xf32>
        %broadcast_in_dim3A_385 = vector.broadcast %squeeze3A_384 : f32 to vector<16xf32>
        %slice3A_386 = vector.extract_strided_slice %get3A_134 {offsets = [12], sizes = [1], strides = [1]} : vector<16xf32> to vector<1xf32>
        %squeeze3A_387 = vector.extract %slice3A_386[0] : f32 from vector<1xf32>
        %broadcast_in_dim3A_388 = vector.broadcast %squeeze3A_387 : f32 to vector<16xf32>
        %sub3A_389 = arith.subf %broadcast_in_dim3A, %broadcast_in_dim3A_385 : vector<16xf32>
        %sub3A_390 = arith.subf %mul3A_98, %broadcast_in_dim3A_388 : vector<16xf32>
        %mul3A_391 = arith.mulf %sub3A_389, %sub3A_389 : vector<16xf32>
        %mul3A_392 = arith.mulf %sub3A_390, %sub3A_390 : vector<16xf32>
        %add3A_393 = arith.addf %mul3A_391, %mul3A_392 : vector<16xf32>
        %min3A_394 = arith.minimumf %min3A_373, %add3A_393 : vector<16xf32>
        %max3A_395 = arith.maximumf %min3A_373, %add3A_393 : vector<16xf32>
        %min3A_396 = arith.minimumf %min3A_375, %max3A_395 : vector<16xf32>
        %max3A_397 = arith.maximumf %min3A_375, %max3A_395 : vector<16xf32>
        %min3A_398 = arith.minimumf %min3A_377, %max3A_397 : vector<16xf32>
        %max3A_399 = arith.maximumf %min3A_377, %max3A_397 : vector<16xf32>
        %min3A_400 = arith.minimumf %min3A_379, %max3A_399 : vector<16xf32>
        %max3A_401 = arith.maximumf %min3A_379, %max3A_399 : vector<16xf32>
        %min3A_402 = arith.minimumf %min3A_381, %max3A_401 : vector<16xf32>
        %max3A_403 = arith.maximumf %min3A_381, %max3A_401 : vector<16xf32>
        %slice3A_404 = vector.extract_strided_slice %get3A_131 {offsets = [13], sizes = [1], strides = [1]} : vector<16xf32> to vector<1xf32>
        %squeeze3A_405 = vector.extract %slice3A_404[0] : f32 from vector<1xf32>
        %broadcast_in_dim3A_406 = vector.broadcast %squeeze3A_405 : f32 to vector<16xf32>
        %slice3A_407 = vector.extract_strided_slice %get3A_134 {offsets = [13], sizes = [1], strides = [1]} : vector<16xf32> to vector<1xf32>
        %squeeze3A_408 = vector.extract %slice3A_407[0] : f32 from vector<1xf32>
        %broadcast_in_dim3A_409 = vector.broadcast %squeeze3A_408 : f32 to vector<16xf32>
        %sub3A_410 = arith.subf %broadcast_in_dim3A, %broadcast_in_dim3A_406 : vector<16xf32>
        %sub3A_411 = arith.subf %mul3A_98, %broadcast_in_dim3A_409 : vector<16xf32>
        %mul3A_412 = arith.mulf %sub3A_410, %sub3A_410 : vector<16xf32>
        %mul3A_413 = arith.mulf %sub3A_411, %sub3A_411 : vector<16xf32>
        %add3A_414 = arith.addf %mul3A_412, %mul3A_413 : vector<16xf32>
        %min3A_415 = arith.minimumf %min3A_394, %add3A_414 : vector<16xf32>
        %max3A_416 = arith.maximumf %min3A_394, %add3A_414 : vector<16xf32>
        %min3A_417 = arith.minimumf %min3A_396, %max3A_416 : vector<16xf32>
        %max3A_418 = arith.maximumf %min3A_396, %max3A_416 : vector<16xf32>
        %min3A_419 = arith.minimumf %min3A_398, %max3A_418 : vector<16xf32>
        %max3A_420 = arith.maximumf %min3A_398, %max3A_418 : vector<16xf32>
        %min3A_421 = arith.minimumf %min3A_400, %max3A_420 : vector<16xf32>
        %max3A_422 = arith.maximumf %min3A_400, %max3A_420 : vector<16xf32>
        %min3A_423 = arith.minimumf %min3A_402, %max3A_422 : vector<16xf32>
        %max3A_424 = arith.maximumf %min3A_402, %max3A_422 : vector<16xf32>
        %slice3A_425 = vector.extract_strided_slice %get3A_131 {offsets = [14], sizes = [1], strides = [1]} : vector<16xf32> to vector<1xf32>
        %squeeze3A_426 = vector.extract %slice3A_425[0] : f32 from vector<1xf32>
        %broadcast_in_dim3A_427 = vector.broadcast %squeeze3A_426 : f32 to vector<16xf32>
        %slice3A_428 = vector.extract_strided_slice %get3A_134 {offsets = [14], sizes = [1], strides = [1]} : vector<16xf32> to vector<1xf32>
        %squeeze3A_429 = vector.extract %slice3A_428[0] : f32 from vector<1xf32>
        %broadcast_in_dim3A_430 = vector.broadcast %squeeze3A_429 : f32 to vector<16xf32>
        %sub3A_431 = arith.subf %broadcast_in_dim3A, %broadcast_in_dim3A_427 : vector<16xf32>
        %sub3A_432 = arith.subf %mul3A_98, %broadcast_in_dim3A_430 : vector<16xf32>
        %mul3A_433 = arith.mulf %sub3A_431, %sub3A_431 : vector<16xf32>
        %mul3A_434 = arith.mulf %sub3A_432, %sub3A_432 : vector<16xf32>
        %add3A_435 = arith.addf %mul3A_433, %mul3A_434 : vector<16xf32>
        %min3A_436 = arith.minimumf %min3A_415, %add3A_435 : vector<16xf32>
        %max3A_437 = arith.maximumf %min3A_415, %add3A_435 : vector<16xf32>
        %min3A_438 = arith.minimumf %min3A_417, %max3A_437 : vector<16xf32>
        %max3A_439 = arith.maximumf %min3A_417, %max3A_437 : vector<16xf32>
        %min3A_440 = arith.minimumf %min3A_419, %max3A_439 : vector<16xf32>
        %max3A_441 = arith.maximumf %min3A_419, %max3A_439 : vector<16xf32>
        %min3A_442 = arith.minimumf %min3A_421, %max3A_441 : vector<16xf32>
        %max3A_443 = arith.maximumf %min3A_421, %max3A_441 : vector<16xf32>
        %min3A_444 = arith.minimumf %min3A_423, %max3A_443 : vector<16xf32>
        %max3A_445 = arith.maximumf %min3A_423, %max3A_443 : vector<16xf32>
        %slice3A_446 = vector.extract_strided_slice %get3A_131 {offsets = [15], sizes = [1], strides = [1]} : vector<16xf32> to vector<1xf32>
        %squeeze3A_447 = vector.extract %slice3A_446[0] : f32 from vector<1xf32>
        %broadcast_in_dim3A_448 = vector.broadcast %squeeze3A_447 : f32 to vector<16xf32>
        %slice3A_449 = vector.extract_strided_slice %get3A_134 {offsets = [15], sizes = [1], strides = [1]} : vector<16xf32> to vector<1xf32>
        %squeeze3A_450 = vector.extract %slice3A_449[0] : f32 from vector<1xf32>
        %broadcast_in_dim3A_451 = vector.broadcast %squeeze3A_450 : f32 to vector<16xf32>
        %sub3A_452 = arith.subf %broadcast_in_dim3A, %broadcast_in_dim3A_448 : vector<16xf32>
        %sub3A_453 = arith.subf %mul3A_98, %broadcast_in_dim3A_451 : vector<16xf32>
        %mul3A_454 = arith.mulf %sub3A_452, %sub3A_452 : vector<16xf32>
        %mul3A_455 = arith.mulf %sub3A_453, %sub3A_453 : vector<16xf32>
        %add3A_456 = arith.addf %mul3A_454, %mul3A_455 : vector<16xf32>
        %min3A_457 = arith.minimumf %min3A_436, %add3A_456 : vector<16xf32>
        %max3A_458 = arith.maximumf %min3A_436, %add3A_456 : vector<16xf32>
        %min3A_459 = arith.minimumf %min3A_438, %max3A_458 : vector<16xf32>
        %max3A_460 = arith.maximumf %min3A_438, %max3A_458 : vector<16xf32>
        %min3A_461 = arith.minimumf %min3A_440, %max3A_460 : vector<16xf32>
        %max3A_462 = arith.maximumf %min3A_440, %max3A_460 : vector<16xf32>
        %min3A_463 = arith.minimumf %min3A_442, %max3A_462 : vector<16xf32>
        %max3A_464 = arith.maximumf %min3A_442, %max3A_462 : vector<16xf32>
        %min3A_465 = arith.minimumf %min3A_444, %max3A_464 : vector<16xf32>
        %max3A_466 = arith.maximumf %min3A_444, %max3A_464 : vector<16xf32>
        scf.yield %min3A_457, %min3A_459, %min3A_461, %min3A_463, %min3A_465 : vector<16xf32>, vector<16xf32>, vector<16xf32>, vector<16xf32>, vector<16xf32>
      }
      %scan3A_106 = arith.constant 512 : i32
      %broadcast_in_dim3A_107 = arith.constant 0.000000e+00 : f32
      %broadcast_in_dim3A_108 = vector.broadcast %broadcast_in_dim3A_107 : f32 to vector<16xf32>
      %scan3A_109 = arith.constant 0 : i32
      %scan3A_110 = arith.constant 512 : i32
      %scan3A_111 = arith.addi %scan3A_109, %scan3A_110 : i32
      %scan3A_112 = arith.constant 1 : i32
      %scan3A_113:2 = scf.for %scan3A_122 = %scan3A_109 to %scan3A_111 step %scan3A_112 iter_args(%scan3A_123 = %broadcast_in_dim3A_108, %scan3A_124 = %broadcast_in_dim3A_108) -> (vector<16xf32>, vector<16xf32>)  : i32 {
        %mul3A_125 = arith.constant 16 : i32
        %mul3A_126 = arith.muli %scan3A_122, %mul3A_125 : i32
        %get3A = arith.index_cast %mul3A_126 : i32 to index
        %get3A_127 = tpu.vector_load %arg6[%get3A] {strides = array<i32>} : memref<8192xf32, #tpu.memory_space<vmem>>, vector<16xf32>,
        %get3A_128 = vector.shape_cast %get3A_127 : vector<16xf32> to vector<16xf32>
        %get3A_129 = arith.index_cast %mul3A_126 : i32 to index
        %get3A_130 = tpu.vector_load %arg7[%get3A_129] {strides = array<i32>} : memref<8192xf32, #tpu.memory_space<vmem>>, vector<16xf32>,
        %get3A_131 = vector.shape_cast %get3A_130 : vector<16xf32> to vector<16xf32>
        %get3A_132 = arith.index_cast %mul3A_126 : i32 to index
        %get3A_133 = tpu.vector_load %arg8[%get3A_132] {strides = array<i32>} : memref<8192xf32, #tpu.memory_space<vmem>>, vector<16xf32>,
        %get3A_134 = vector.shape_cast %get3A_133 : vector<16xf32> to vector<16xf32>
        %slice3A = vector.extract_strided_slice %get3A_128 {offsets = [0], sizes = [1], strides = [1]} : vector<16xf32> to vector<1xf32>
        %squeeze3A = vector.extract %slice3A[0] : f32 from vector<1xf32>
        %broadcast_in_dim3A_135 = vector.broadcast %squeeze3A : f32 to vector<16xf32>
        %slice3A_136 = vector.extract_strided_slice %get3A_131 {offsets = [0], sizes = [1], strides = [1]} : vector<16xf32> to vector<1xf32>
        %squeeze3A_137 = vector.extract %slice3A_136[0] : f32 from vector<1xf32>
        %broadcast_in_dim3A_138 = vector.broadcast %squeeze3A_137 : f32 to vector<16xf32>
        %slice3A_139 = vector.extract_strided_slice %get3A_134 {offsets = [0], sizes = [1], strides = [1]} : vector<16xf32> to vector<1xf32>
        %squeeze3A_140 = vector.extract %slice3A_139[0] : f32 from vector<1xf32>
        %broadcast_in_dim3A_141 = vector.broadcast %squeeze3A_140 : f32 to vector<16xf32>
        %sub3A_142 = arith.subf %broadcast_in_dim3A, %broadcast_in_dim3A_135 : vector<16xf32>
        %sub3A_143 = arith.subf %mul3A_98, %broadcast_in_dim3A_138 : vector<16xf32>
        %mul3A_144 = arith.mulf %sub3A_142, %sub3A_142 : vector<16xf32>
        %mul3A_145 = arith.mulf %sub3A_143, %sub3A_143 : vector<16xf32>
        %add3A_146 = arith.addf %mul3A_144, %mul3A_145 : vector<16xf32>
        %mul3A_147 = arith.constant -2.000000e+00 : f32
        %mul3A_148 = vector.broadcast %mul3A_147 : f32 to vector<16xf32>
        %mul3A_149 = arith.mulf %mul3A_148, %add3A_146 : vector<16xf32>
        %exp3A = math.exp %mul3A_149 : vector<16xf32>
        %le3A = arith.cmpf ole, %add3A_146, %scan3A_105#4 : vector<16xf32>
        %jit3A_150 = arith.constant 0.000000e+00 : f32
        %broadcast_in_dim3A_151 = vector.broadcast %jit3A_150 : f32 to vector<16xf32>
        %select_n3A_152 = arith.select %le3A, %exp3A, %broadcast_in_dim3A_151 : vector<16xi1>, vector<16xf32>
        %mul3A_153 = arith.mulf %select_n3A_152, %broadcast_in_dim3A_141 : vector<16xf32>
        %add3A_154 = arith.addf %scan3A_123, %mul3A_153 : vector<16xf32>
        %add3A_155 = arith.addf %scan3A_124, %select_n3A_152 : vector<16xf32>
        %slice3A_156 = vector.extract_strided_slice %get3A_128 {offsets = [1], sizes = [1], strides = [1]} : vector<16xf32> to vector<1xf32>
        %squeeze3A_157 = vector.extract %slice3A_156[0] : f32 from vector<1xf32>
        %broadcast_in_dim3A_158 = vector.broadcast %squeeze3A_157 : f32 to vector<16xf32>
        %slice3A_159 = vector.extract_strided_slice %get3A_131 {offsets = [1], sizes = [1], strides = [1]} : vector<16xf32> to vector<1xf32>
        %squeeze3A_160 = vector.extract %slice3A_159[0] : f32 from vector<1xf32>
        %broadcast_in_dim3A_161 = vector.broadcast %squeeze3A_160 : f32 to vector<16xf32>
        %slice3A_162 = vector.extract_strided_slice %get3A_134 {offsets = [1], sizes = [1], strides = [1]} : vector<16xf32> to vector<1xf32>
        %squeeze3A_163 = vector.extract %slice3A_162[0] : f32 from vector<1xf32>
        %broadcast_in_dim3A_164 = vector.broadcast %squeeze3A_163 : f32 to vector<16xf32>
        %sub3A_165 = arith.subf %broadcast_in_dim3A, %broadcast_in_dim3A_158 : vector<16xf32>
        %sub3A_166 = arith.subf %mul3A_98, %broadcast_in_dim3A_161 : vector<16xf32>
        %mul3A_167 = arith.mulf %sub3A_165, %sub3A_165 : vector<16xf32>
        %mul3A_168 = arith.mulf %sub3A_166, %sub3A_166 : vector<16xf32>
        %add3A_169 = arith.addf %mul3A_167, %mul3A_168 : vector<16xf32>
        %mul3A_170 = arith.constant -2.000000e+00 : f32
        %mul3A_171 = vector.broadcast %mul3A_170 : f32 to vector<16xf32>
        %mul3A_172 = arith.mulf %mul3A_171, %add3A_169 : vector<16xf32>
        %exp3A_173 = math.exp %mul3A_172 : vector<16xf32>
        %le3A_174 = arith.cmpf ole, %add3A_169, %scan3A_105#4 : vector<16xf32>
        %jit3A_175 = arith.constant 0.000000e+00 : f32
        %broadcast_in_dim3A_176 = vector.broadcast %jit3A_175 : f32 to vector<16xf32>
        %select_n3A_177 = arith.select %le3A_174, %exp3A_173, %broadcast_in_dim3A_176 : vector<16xi1>, vector<16xf32>
        %mul3A_178 = arith.mulf %select_n3A_177, %broadcast_in_dim3A_164 : vector<16xf32>
        %add3A_179 = arith.addf %add3A_154, %mul3A_178 : vector<16xf32>
        %add3A_180 = arith.addf %add3A_155, %select_n3A_177 : vector<16xf32>
        %slice3A_181 = vector.extract_strided_slice %get3A_128 {offsets = [2], sizes = [1], strides = [1]} : vector<16xf32> to vector<1xf32>
        %squeeze3A_182 = vector.extract %slice3A_181[0] : f32 from vector<1xf32>
        %broadcast_in_dim3A_183 = vector.broadcast %squeeze3A_182 : f32 to vector<16xf32>
        %slice3A_184 = vector.extract_strided_slice %get3A_131 {offsets = [2], sizes = [1], strides = [1]} : vector<16xf32> to vector<1xf32>
        %squeeze3A_185 = vector.extract %slice3A_184[0] : f32 from vector<1xf32>
        %broadcast_in_dim3A_186 = vector.broadcast %squeeze3A_185 : f32 to vector<16xf32>
        %slice3A_187 = vector.extract_strided_slice %get3A_134 {offsets = [2], sizes = [1], strides = [1]} : vector<16xf32> to vector<1xf32>
        %squeeze3A_188 = vector.extract %slice3A_187[0] : f32 from vector<1xf32>
        %broadcast_in_dim3A_189 = vector.broadcast %squeeze3A_188 : f32 to vector<16xf32>
        %sub3A_190 = arith.subf %broadcast_in_dim3A, %broadcast_in_dim3A_183 : vector<16xf32>
        %sub3A_191 = arith.subf %mul3A_98, %broadcast_in_dim3A_186 : vector<16xf32>
        %mul3A_192 = arith.mulf %sub3A_190, %sub3A_190 : vector<16xf32>
        %mul3A_193 = arith.mulf %sub3A_191, %sub3A_191 : vector<16xf32>
        %add3A_194 = arith.addf %mul3A_192, %mul3A_193 : vector<16xf32>
        %mul3A_195 = arith.constant -2.000000e+00 : f32
        %mul3A_196 = vector.broadcast %mul3A_195 : f32 to vector<16xf32>
        %mul3A_197 = arith.mulf %mul3A_196, %add3A_194 : vector<16xf32>
        %exp3A_198 = math.exp %mul3A_197 : vector<16xf32>
        %le3A_199 = arith.cmpf ole, %add3A_194, %scan3A_105#4 : vector<16xf32>
        %jit3A_200 = arith.constant 0.000000e+00 : f32
        %broadcast_in_dim3A_201 = vector.broadcast %jit3A_200 : f32 to vector<16xf32>
        %select_n3A_202 = arith.select %le3A_199, %exp3A_198, %broadcast_in_dim3A_201 : vector<16xi1>, vector<16xf32>
        %mul3A_203 = arith.mulf %select_n3A_202, %broadcast_in_dim3A_189 : vector<16xf32>
        %add3A_204 = arith.addf %add3A_179, %mul3A_203 : vector<16xf32>
        %add3A_205 = arith.addf %add3A_180, %select_n3A_202 : vector<16xf32>
        %slice3A_206 = vector.extract_strided_slice %get3A_128 {offsets = [3], sizes = [1], strides = [1]} : vector<16xf32> to vector<1xf32>
        %squeeze3A_207 = vector.extract %slice3A_206[0] : f32 from vector<1xf32>
        %broadcast_in_dim3A_208 = vector.broadcast %squeeze3A_207 : f32 to vector<16xf32>
        %slice3A_209 = vector.extract_strided_slice %get3A_131 {offsets = [3], sizes = [1], strides = [1]} : vector<16xf32> to vector<1xf32>
        %squeeze3A_210 = vector.extract %slice3A_209[0] : f32 from vector<1xf32>
        %broadcast_in_dim3A_211 = vector.broadcast %squeeze3A_210 : f32 to vector<16xf32>
        %slice3A_212 = vector.extract_strided_slice %get3A_134 {offsets = [3], sizes = [1], strides = [1]} : vector<16xf32> to vector<1xf32>
        %squeeze3A_213 = vector.extract %slice3A_212[0] : f32 from vector<1xf32>
        %broadcast_in_dim3A_214 = vector.broadcast %squeeze3A_213 : f32 to vector<16xf32>
        %sub3A_215 = arith.subf %broadcast_in_dim3A, %broadcast_in_dim3A_208 : vector<16xf32>
        %sub3A_216 = arith.subf %mul3A_98, %broadcast_in_dim3A_211 : vector<16xf32>
        %mul3A_217 = arith.mulf %sub3A_215, %sub3A_215 : vector<16xf32>
        %mul3A_218 = arith.mulf %sub3A_216, %sub3A_216 : vector<16xf32>
        %add3A_219 = arith.addf %mul3A_217, %mul3A_218 : vector<16xf32>
        %mul3A_220 = arith.constant -2.000000e+00 : f32
        %mul3A_221 = vector.broadcast %mul3A_220 : f32 to vector<16xf32>
        %mul3A_222 = arith.mulf %mul3A_221, %add3A_219 : vector<16xf32>
        %exp3A_223 = math.exp %mul3A_222 : vector<16xf32>
        %le3A_224 = arith.cmpf ole, %add3A_219, %scan3A_105#4 : vector<16xf32>
        %jit3A_225 = arith.constant 0.000000e+00 : f32
        %broadcast_in_dim3A_226 = vector.broadcast %jit3A_225 : f32 to vector<16xf32>
        %select_n3A_227 = arith.select %le3A_224, %exp3A_223, %broadcast_in_dim3A_226 : vector<16xi1>, vector<16xf32>
        %mul3A_228 = arith.mulf %select_n3A_227, %broadcast_in_dim3A_214 : vector<16xf32>
        %add3A_229 = arith.addf %add3A_204, %mul3A_228 : vector<16xf32>
        %add3A_230 = arith.addf %add3A_205, %select_n3A_227 : vector<16xf32>
        %slice3A_231 = vector.extract_strided_slice %get3A_128 {offsets = [4], sizes = [1], strides = [1]} : vector<16xf32> to vector<1xf32>
        %squeeze3A_232 = vector.extract %slice3A_231[0] : f32 from vector<1xf32>
        %broadcast_in_dim3A_233 = vector.broadcast %squeeze3A_232 : f32 to vector<16xf32>
        %slice3A_234 = vector.extract_strided_slice %get3A_131 {offsets = [4], sizes = [1], strides = [1]} : vector<16xf32> to vector<1xf32>
        %squeeze3A_235 = vector.extract %slice3A_234[0] : f32 from vector<1xf32>
        %broadcast_in_dim3A_236 = vector.broadcast %squeeze3A_235 : f32 to vector<16xf32>
        %slice3A_237 = vector.extract_strided_slice %get3A_134 {offsets = [4], sizes = [1], strides = [1]} : vector<16xf32> to vector<1xf32>
        %squeeze3A_238 = vector.extract %slice3A_237[0] : f32 from vector<1xf32>
        %broadcast_in_dim3A_239 = vector.broadcast %squeeze3A_238 : f32 to vector<16xf32>
        %sub3A_240 = arith.subf %broadcast_in_dim3A, %broadcast_in_dim3A_233 : vector<16xf32>
        %sub3A_241 = arith.subf %mul3A_98, %broadcast_in_dim3A_236 : vector<16xf32>
        %mul3A_242 = arith.mulf %sub3A_240, %sub3A_240 : vector<16xf32>
        %mul3A_243 = arith.mulf %sub3A_241, %sub3A_241 : vector<16xf32>
        %add3A_244 = arith.addf %mul3A_242, %mul3A_243 : vector<16xf32>
        %mul3A_245 = arith.constant -2.000000e+00 : f32
        %mul3A_246 = vector.broadcast %mul3A_245 : f32 to vector<16xf32>
        %mul3A_247 = arith.mulf %mul3A_246, %add3A_244 : vector<16xf32>
        %exp3A_248 = math.exp %mul3A_247 : vector<16xf32>
        %le3A_249 = arith.cmpf ole, %add3A_244, %scan3A_105#4 : vector<16xf32>
        %jit3A_250 = arith.constant 0.000000e+00 : f32
        %broadcast_in_dim3A_251 = vector.broadcast %jit3A_250 : f32 to vector<16xf32>
        %select_n3A_252 = arith.select %le3A_249, %exp3A_248, %broadcast_in_dim3A_251 : vector<16xi1>, vector<16xf32>
        %mul3A_253 = arith.mulf %select_n3A_252, %broadcast_in_dim3A_239 : vector<16xf32>
        %add3A_254 = arith.addf %add3A_229, %mul3A_253 : vector<16xf32>
        %add3A_255 = arith.addf %add3A_230, %select_n3A_252 : vector<16xf32>
        %slice3A_256 = vector.extract_strided_slice %get3A_128 {offsets = [5], sizes = [1], strides = [1]} : vector<16xf32> to vector<1xf32>
        %squeeze3A_257 = vector.extract %slice3A_256[0] : f32 from vector<1xf32>
        %broadcast_in_dim3A_258 = vector.broadcast %squeeze3A_257 : f32 to vector<16xf32>
        %slice3A_259 = vector.extract_strided_slice %get3A_131 {offsets = [5], sizes = [1], strides = [1]} : vector<16xf32> to vector<1xf32>
        %squeeze3A_260 = vector.extract %slice3A_259[0] : f32 from vector<1xf32>
        %broadcast_in_dim3A_261 = vector.broadcast %squeeze3A_260 : f32 to vector<16xf32>
        %slice3A_262 = vector.extract_strided_slice %get3A_134 {offsets = [5], sizes = [1], strides = [1]} : vector<16xf32> to vector<1xf32>
        %squeeze3A_263 = vector.extract %slice3A_262[0] : f32 from vector<1xf32>
        %broadcast_in_dim3A_264 = vector.broadcast %squeeze3A_263 : f32 to vector<16xf32>
        %sub3A_265 = arith.subf %broadcast_in_dim3A, %broadcast_in_dim3A_258 : vector<16xf32>
        %sub3A_266 = arith.subf %mul3A_98, %broadcast_in_dim3A_261 : vector<16xf32>
        %mul3A_267 = arith.mulf %sub3A_265, %sub3A_265 : vector<16xf32>
        %mul3A_268 = arith.mulf %sub3A_266, %sub3A_266 : vector<16xf32>
        %add3A_269 = arith.addf %mul3A_267, %mul3A_268 : vector<16xf32>
        %mul3A_270 = arith.constant -2.000000e+00 : f32
        %mul3A_271 = vector.broadcast %mul3A_270 : f32 to vector<16xf32>
        %mul3A_272 = arith.mulf %mul3A_271, %add3A_269 : vector<16xf32>
        %exp3A_273 = math.exp %mul3A_272 : vector<16xf32>
        %le3A_274 = arith.cmpf ole, %add3A_269, %scan3A_105#4 : vector<16xf32>
        %jit3A_275 = arith.constant 0.000000e+00 : f32
        %broadcast_in_dim3A_276 = vector.broadcast %jit3A_275 : f32 to vector<16xf32>
        %select_n3A_277 = arith.select %le3A_274, %exp3A_273, %broadcast_in_dim3A_276 : vector<16xi1>, vector<16xf32>
        %mul3A_278 = arith.mulf %select_n3A_277, %broadcast_in_dim3A_264 : vector<16xf32>
        %add3A_279 = arith.addf %add3A_254, %mul3A_278 : vector<16xf32>
        %add3A_280 = arith.addf %add3A_255, %select_n3A_277 : vector<16xf32>
        %slice3A_281 = vector.extract_strided_slice %get3A_128 {offsets = [6], sizes = [1], strides = [1]} : vector<16xf32> to vector<1xf32>
        %squeeze3A_282 = vector.extract %slice3A_281[0] : f32 from vector<1xf32>
        %broadcast_in_dim3A_283 = vector.broadcast %squeeze3A_282 : f32 to vector<16xf32>
        %slice3A_284 = vector.extract_strided_slice %get3A_131 {offsets = [6], sizes = [1], strides = [1]} : vector<16xf32> to vector<1xf32>
        %squeeze3A_285 = vector.extract %slice3A_284[0] : f32 from vector<1xf32>
        %broadcast_in_dim3A_286 = vector.broadcast %squeeze3A_285 : f32 to vector<16xf32>
        %slice3A_287 = vector.extract_strided_slice %get3A_134 {offsets = [6], sizes = [1], strides = [1]} : vector<16xf32> to vector<1xf32>
        %squeeze3A_288 = vector.extract %slice3A_287[0] : f32 from vector<1xf32>
        %broadcast_in_dim3A_289 = vector.broadcast %squeeze3A_288 : f32 to vector<16xf32>
        %sub3A_290 = arith.subf %broadcast_in_dim3A, %broadcast_in_dim3A_283 : vector<16xf32>
        %sub3A_291 = arith.subf %mul3A_98, %broadcast_in_dim3A_286 : vector<16xf32>
        %mul3A_292 = arith.mulf %sub3A_290, %sub3A_290 : vector<16xf32>
        %mul3A_293 = arith.mulf %sub3A_291, %sub3A_291 : vector<16xf32>
        %add3A_294 = arith.addf %mul3A_292, %mul3A_293 : vector<16xf32>
        %mul3A_295 = arith.constant -2.000000e+00 : f32
        %mul3A_296 = vector.broadcast %mul3A_295 : f32 to vector<16xf32>
        %mul3A_297 = arith.mulf %mul3A_296, %add3A_294 : vector<16xf32>
        %exp3A_298 = math.exp %mul3A_297 : vector<16xf32>
        %le3A_299 = arith.cmpf ole, %add3A_294, %scan3A_105#4 : vector<16xf32>
        %jit3A_300 = arith.constant 0.000000e+00 : f32
        %broadcast_in_dim3A_301 = vector.broadcast %jit3A_300 : f32 to vector<16xf32>
        %select_n3A_302 = arith.select %le3A_299, %exp3A_298, %broadcast_in_dim3A_301 : vector<16xi1>, vector<16xf32>
        %mul3A_303 = arith.mulf %select_n3A_302, %broadcast_in_dim3A_289 : vector<16xf32>
        %add3A_304 = arith.addf %add3A_279, %mul3A_303 : vector<16xf32>
        %add3A_305 = arith.addf %add3A_280, %select_n3A_302 : vector<16xf32>
        %slice3A_306 = vector.extract_strided_slice %get3A_128 {offsets = [7], sizes = [1], strides = [1]} : vector<16xf32> to vector<1xf32>
        %squeeze3A_307 = vector.extract %slice3A_306[0] : f32 from vector<1xf32>
        %broadcast_in_dim3A_308 = vector.broadcast %squeeze3A_307 : f32 to vector<16xf32>
        %slice3A_309 = vector.extract_strided_slice %get3A_131 {offsets = [7], sizes = [1], strides = [1]} : vector<16xf32> to vector<1xf32>
        %squeeze3A_310 = vector.extract %slice3A_309[0] : f32 from vector<1xf32>
        %broadcast_in_dim3A_311 = vector.broadcast %squeeze3A_310 : f32 to vector<16xf32>
        %slice3A_312 = vector.extract_strided_slice %get3A_134 {offsets = [7], sizes = [1], strides = [1]} : vector<16xf32> to vector<1xf32>
        %squeeze3A_313 = vector.extract %slice3A_312[0] : f32 from vector<1xf32>
        %broadcast_in_dim3A_314 = vector.broadcast %squeeze3A_313 : f32 to vector<16xf32>
        %sub3A_315 = arith.subf %broadcast_in_dim3A, %broadcast_in_dim3A_308 : vector<16xf32>
        %sub3A_316 = arith.subf %mul3A_98, %broadcast_in_dim3A_311 : vector<16xf32>
        %mul3A_317 = arith.mulf %sub3A_315, %sub3A_315 : vector<16xf32>
        %mul3A_318 = arith.mulf %sub3A_316, %sub3A_316 : vector<16xf32>
        %add3A_319 = arith.addf %mul3A_317, %mul3A_318 : vector<16xf32>
        %mul3A_320 = arith.constant -2.000000e+00 : f32
        %mul3A_321 = vector.broadcast %mul3A_320 : f32 to vector<16xf32>
        %mul3A_322 = arith.mulf %mul3A_321, %add3A_319 : vector<16xf32>
        %exp3A_323 = math.exp %mul3A_322 : vector<16xf32>
        %le3A_324 = arith.cmpf ole, %add3A_319, %scan3A_105#4 : vector<16xf32>
        %jit3A_325 = arith.constant 0.000000e+00 : f32
        %broadcast_in_dim3A_326 = vector.broadcast %jit3A_325 : f32 to vector<16xf32>
        %select_n3A_327 = arith.select %le3A_324, %exp3A_323, %broadcast_in_dim3A_326 : vector<16xi1>, vector<16xf32>
        %mul3A_328 = arith.mulf %select_n3A_327, %broadcast_in_dim3A_314 : vector<16xf32>
        %add3A_329 = arith.addf %add3A_304, %mul3A_328 : vector<16xf32>
        %add3A_330 = arith.addf %add3A_305, %select_n3A_327 : vector<16xf32>
        %slice3A_331 = vector.extract_strided_slice %get3A_128 {offsets = [8], sizes = [1], strides = [1]} : vector<16xf32> to vector<1xf32>
        %squeeze3A_332 = vector.extract %slice3A_331[0] : f32 from vector<1xf32>
        %broadcast_in_dim3A_333 = vector.broadcast %squeeze3A_332 : f32 to vector<16xf32>
        %slice3A_334 = vector.extract_strided_slice %get3A_131 {offsets = [8], sizes = [1], strides = [1]} : vector<16xf32> to vector<1xf32>
        %squeeze3A_335 = vector.extract %slice3A_334[0] : f32 from vector<1xf32>
        %broadcast_in_dim3A_336 = vector.broadcast %squeeze3A_335 : f32 to vector<16xf32>
        %slice3A_337 = vector.extract_strided_slice %get3A_134 {offsets = [8], sizes = [1], strides = [1]} : vector<16xf32> to vector<1xf32>
        %squeeze3A_338 = vector.extract %slice3A_337[0] : f32 from vector<1xf32>
        %broadcast_in_dim3A_339 = vector.broadcast %squeeze3A_338 : f32 to vector<16xf32>
        %sub3A_340 = arith.subf %broadcast_in_dim3A, %broadcast_in_dim3A_333 : vector<16xf32>
        %sub3A_341 = arith.subf %mul3A_98, %broadcast_in_dim3A_336 : vector<16xf32>
        %mul3A_342 = arith.mulf %sub3A_340, %sub3A_340 : vector<16xf32>
        %mul3A_343 = arith.mulf %sub3A_341, %sub3A_341 : vector<16xf32>
        %add3A_344 = arith.addf %mul3A_342, %mul3A_343 : vector<16xf32>
        %mul3A_345 = arith.constant -2.000000e+00 : f32
        %mul3A_346 = vector.broadcast %mul3A_345 : f32 to vector<16xf32>
        %mul3A_347 = arith.mulf %mul3A_346, %add3A_344 : vector<16xf32>
        %exp3A_348 = math.exp %mul3A_347 : vector<16xf32>
        %le3A_349 = arith.cmpf ole, %add3A_344, %scan3A_105#4 : vector<16xf32>
        %jit3A_350 = arith.constant 0.000000e+00 : f32
        %broadcast_in_dim3A_351 = vector.broadcast %jit3A_350 : f32 to vector<16xf32>
        %select_n3A_352 = arith.select %le3A_349, %exp3A_348, %broadcast_in_dim3A_351 : vector<16xi1>, vector<16xf32>
        %mul3A_353 = arith.mulf %select_n3A_352, %broadcast_in_dim3A_339 : vector<16xf32>
        %add3A_354 = arith.addf %add3A_329, %mul3A_353 : vector<16xf32>
        %add3A_355 = arith.addf %add3A_330, %select_n3A_352 : vector<16xf32>
        %slice3A_356 = vector.extract_strided_slice %get3A_128 {offsets = [9], sizes = [1], strides = [1]} : vector<16xf32> to vector<1xf32>
        %squeeze3A_357 = vector.extract %slice3A_356[0] : f32 from vector<1xf32>
        %broadcast_in_dim3A_358 = vector.broadcast %squeeze3A_357 : f32 to vector<16xf32>
        %slice3A_359 = vector.extract_strided_slice %get3A_131 {offsets = [9], sizes = [1], strides = [1]} : vector<16xf32> to vector<1xf32>
        %squeeze3A_360 = vector.extract %slice3A_359[0] : f32 from vector<1xf32>
        %broadcast_in_dim3A_361 = vector.broadcast %squeeze3A_360 : f32 to vector<16xf32>
        %slice3A_362 = vector.extract_strided_slice %get3A_134 {offsets = [9], sizes = [1], strides = [1]} : vector<16xf32> to vector<1xf32>
        %squeeze3A_363 = vector.extract %slice3A_362[0] : f32 from vector<1xf32>
        %broadcast_in_dim3A_364 = vector.broadcast %squeeze3A_363 : f32 to vector<16xf32>
        %sub3A_365 = arith.subf %broadcast_in_dim3A, %broadcast_in_dim3A_358 : vector<16xf32>
        %sub3A_366 = arith.subf %mul3A_98, %broadcast_in_dim3A_361 : vector<16xf32>
        %mul3A_367 = arith.mulf %sub3A_365, %sub3A_365 : vector<16xf32>
        %mul3A_368 = arith.mulf %sub3A_366, %sub3A_366 : vector<16xf32>
        %add3A_369 = arith.addf %mul3A_367, %mul3A_368 : vector<16xf32>
        %mul3A_370 = arith.constant -2.000000e+00 : f32
        %mul3A_371 = vector.broadcast %mul3A_370 : f32 to vector<16xf32>
        %mul3A_372 = arith.mulf %mul3A_371, %add3A_369 : vector<16xf32>
        %exp3A_373 = math.exp %mul3A_372 : vector<16xf32>
        %le3A_374 = arith.cmpf ole, %add3A_369, %scan3A_105#4 : vector<16xf32>
        %jit3A_375 = arith.constant 0.000000e+00 : f32
        %broadcast_in_dim3A_376 = vector.broadcast %jit3A_375 : f32 to vector<16xf32>
        %select_n3A_377 = arith.select %le3A_374, %exp3A_373, %broadcast_in_dim3A_376 : vector<16xi1>, vector<16xf32>
        %mul3A_378 = arith.mulf %select_n3A_377, %broadcast_in_dim3A_364 : vector<16xf32>
        %add3A_379 = arith.addf %add3A_354, %mul3A_378 : vector<16xf32>
        %add3A_380 = arith.addf %add3A_355, %select_n3A_377 : vector<16xf32>
        %slice3A_381 = vector.extract_strided_slice %get3A_128 {offsets = [10], sizes = [1], strides = [1]} : vector<16xf32> to vector<1xf32>
        %squeeze3A_382 = vector.extract %slice3A_381[0] : f32 from vector<1xf32>
        %broadcast_in_dim3A_383 = vector.broadcast %squeeze3A_382 : f32 to vector<16xf32>
        %slice3A_384 = vector.extract_strided_slice %get3A_131 {offsets = [10], sizes = [1], strides = [1]} : vector<16xf32> to vector<1xf32>
        %squeeze3A_385 = vector.extract %slice3A_384[0] : f32 from vector<1xf32>
        %broadcast_in_dim3A_386 = vector.broadcast %squeeze3A_385 : f32 to vector<16xf32>
        %slice3A_387 = vector.extract_strided_slice %get3A_134 {offsets = [10], sizes = [1], strides = [1]} : vector<16xf32> to vector<1xf32>
        %squeeze3A_388 = vector.extract %slice3A_387[0] : f32 from vector<1xf32>
        %broadcast_in_dim3A_389 = vector.broadcast %squeeze3A_388 : f32 to vector<16xf32>
        %sub3A_390 = arith.subf %broadcast_in_dim3A, %broadcast_in_dim3A_383 : vector<16xf32>
        %sub3A_391 = arith.subf %mul3A_98, %broadcast_in_dim3A_386 : vector<16xf32>
        %mul3A_392 = arith.mulf %sub3A_390, %sub3A_390 : vector<16xf32>
        %mul3A_393 = arith.mulf %sub3A_391, %sub3A_391 : vector<16xf32>
        %add3A_394 = arith.addf %mul3A_392, %mul3A_393 : vector<16xf32>
        %mul3A_395 = arith.constant -2.000000e+00 : f32
        %mul3A_396 = vector.broadcast %mul3A_395 : f32 to vector<16xf32>
        %mul3A_397 = arith.mulf %mul3A_396, %add3A_394 : vector<16xf32>
        %exp3A_398 = math.exp %mul3A_397 : vector<16xf32>
        %le3A_399 = arith.cmpf ole, %add3A_394, %scan3A_105#4 : vector<16xf32>
        %jit3A_400 = arith.constant 0.000000e+00 : f32
        %broadcast_in_dim3A_401 = vector.broadcast %jit3A_400 : f32 to vector<16xf32>
        %select_n3A_402 = arith.select %le3A_399, %exp3A_398, %broadcast_in_dim3A_401 : vector<16xi1>, vector<16xf32>
        %mul3A_403 = arith.mulf %select_n3A_402, %broadcast_in_dim3A_389 : vector<16xf32>
        %add3A_404 = arith.addf %add3A_379, %mul3A_403 : vector<16xf32>
        %add3A_405 = arith.addf %add3A_380, %select_n3A_402 : vector<16xf32>
        %slice3A_406 = vector.extract_strided_slice %get3A_128 {offsets = [11], sizes = [1], strides = [1]} : vector<16xf32> to vector<1xf32>
        %squeeze3A_407 = vector.extract %slice3A_406[0] : f32 from vector<1xf32>
        %broadcast_in_dim3A_408 = vector.broadcast %squeeze3A_407 : f32 to vector<16xf32>
        %slice3A_409 = vector.extract_strided_slice %get3A_131 {offsets = [11], sizes = [1], strides = [1]} : vector<16xf32> to vector<1xf32>
        %squeeze3A_410 = vector.extract %slice3A_409[0] : f32 from vector<1xf32>
        %broadcast_in_dim3A_411 = vector.broadcast %squeeze3A_410 : f32 to vector<16xf32>
        %slice3A_412 = vector.extract_strided_slice %get3A_134 {offsets = [11], sizes = [1], strides = [1]} : vector<16xf32> to vector<1xf32>
        %squeeze3A_413 = vector.extract %slice3A_412[0] : f32 from vector<1xf32>
        %broadcast_in_dim3A_414 = vector.broadcast %squeeze3A_413 : f32 to vector<16xf32>
        %sub3A_415 = arith.subf %broadcast_in_dim3A, %broadcast_in_dim3A_408 : vector<16xf32>
        %sub3A_416 = arith.subf %mul3A_98, %broadcast_in_dim3A_411 : vector<16xf32>
        %mul3A_417 = arith.mulf %sub3A_415, %sub3A_415 : vector<16xf32>
        %mul3A_418 = arith.mulf %sub3A_416, %sub3A_416 : vector<16xf32>
        %add3A_419 = arith.addf %mul3A_417, %mul3A_418 : vector<16xf32>
        %mul3A_420 = arith.constant -2.000000e+00 : f32
        %mul3A_421 = vector.broadcast %mul3A_420 : f32 to vector<16xf32>
        %mul3A_422 = arith.mulf %mul3A_421, %add3A_419 : vector<16xf32>
        %exp3A_423 = math.exp %mul3A_422 : vector<16xf32>
        %le3A_424 = arith.cmpf ole, %add3A_419, %scan3A_105#4 : vector<16xf32>
        %jit3A_425 = arith.constant 0.000000e+00 : f32
        %broadcast_in_dim3A_426 = vector.broadcast %jit3A_425 : f32 to vector<16xf32>
        %select_n3A_427 = arith.select %le3A_424, %exp3A_423, %broadcast_in_dim3A_426 : vector<16xi1>, vector<16xf32>
        %mul3A_428 = arith.mulf %select_n3A_427, %broadcast_in_dim3A_414 : vector<16xf32>
        %add3A_429 = arith.addf %add3A_404, %mul3A_428 : vector<16xf32>
        %add3A_430 = arith.addf %add3A_405, %select_n3A_427 : vector<16xf32>
        %slice3A_431 = vector.extract_strided_slice %get3A_128 {offsets = [12], sizes = [1], strides = [1]} : vector<16xf32> to vector<1xf32>
        %squeeze3A_432 = vector.extract %slice3A_431[0] : f32 from vector<1xf32>
        %broadcast_in_dim3A_433 = vector.broadcast %squeeze3A_432 : f32 to vector<16xf32>
        %slice3A_434 = vector.extract_strided_slice %get3A_131 {offsets = [12], sizes = [1], strides = [1]} : vector<16xf32> to vector<1xf32>
        %squeeze3A_435 = vector.extract %slice3A_434[0] : f32 from vector<1xf32>
        %broadcast_in_dim3A_436 = vector.broadcast %squeeze3A_435 : f32 to vector<16xf32>
        %slice3A_437 = vector.extract_strided_slice %get3A_134 {offsets = [12], sizes = [1], strides = [1]} : vector<16xf32> to vector<1xf32>
        %squeeze3A_438 = vector.extract %slice3A_437[0] : f32 from vector<1xf32>
        %broadcast_in_dim3A_439 = vector.broadcast %squeeze3A_438 : f32 to vector<16xf32>
        %sub3A_440 = arith.subf %broadcast_in_dim3A, %broadcast_in_dim3A_433 : vector<16xf32>
        %sub3A_441 = arith.subf %mul3A_98, %broadcast_in_dim3A_436 : vector<16xf32>
        %mul3A_442 = arith.mulf %sub3A_440, %sub3A_440 : vector<16xf32>
        %mul3A_443 = arith.mulf %sub3A_441, %sub3A_441 : vector<16xf32>
        %add3A_444 = arith.addf %mul3A_442, %mul3A_443 : vector<16xf32>
        %mul3A_445 = arith.constant -2.000000e+00 : f32
        %mul3A_446 = vector.broadcast %mul3A_445 : f32 to vector<16xf32>
        %mul3A_447 = arith.mulf %mul3A_446, %add3A_444 : vector<16xf32>
        %exp3A_448 = math.exp %mul3A_447 : vector<16xf32>
        %le3A_449 = arith.cmpf ole, %add3A_444, %scan3A_105#4 : vector<16xf32>
        %jit3A_450 = arith.constant 0.000000e+00 : f32
        %broadcast_in_dim3A_451 = vector.broadcast %jit3A_450 : f32 to vector<16xf32>
        %select_n3A_452 = arith.select %le3A_449, %exp3A_448, %broadcast_in_dim3A_451 : vector<16xi1>, vector<16xf32>
        %mul3A_453 = arith.mulf %select_n3A_452, %broadcast_in_dim3A_439 : vector<16xf32>
        %add3A_454 = arith.addf %add3A_429, %mul3A_453 : vector<16xf32>
        %add3A_455 = arith.addf %add3A_430, %select_n3A_452 : vector<16xf32>
        %slice3A_456 = vector.extract_strided_slice %get3A_128 {offsets = [13], sizes = [1], strides = [1]} : vector<16xf32> to vector<1xf32>
        %squeeze3A_457 = vector.extract %slice3A_456[0] : f32 from vector<1xf32>
        %broadcast_in_dim3A_458 = vector.broadcast %squeeze3A_457 : f32 to vector<16xf32>
        %slice3A_459 = vector.extract_strided_slice %get3A_131 {offsets = [13], sizes = [1], strides = [1]} : vector<16xf32> to vector<1xf32>
        %squeeze3A_460 = vector.extract %slice3A_459[0] : f32 from vector<1xf32>
        %broadcast_in_dim3A_461 = vector.broadcast %squeeze3A_460 : f32 to vector<16xf32>
        %slice3A_462 = vector.extract_strided_slice %get3A_134 {offsets = [13], sizes = [1], strides = [1]} : vector<16xf32> to vector<1xf32>
        %squeeze3A_463 = vector.extract %slice3A_462[0] : f32 from vector<1xf32>
        %broadcast_in_dim3A_464 = vector.broadcast %squeeze3A_463 : f32 to vector<16xf32>
        %sub3A_465 = arith.subf %broadcast_in_dim3A, %broadcast_in_dim3A_458 : vector<16xf32>
        %sub3A_466 = arith.subf %mul3A_98, %broadcast_in_dim3A_461 : vector<16xf32>
        %mul3A_467 = arith.mulf %sub3A_465, %sub3A_465 : vector<16xf32>
        %mul3A_468 = arith.mulf %sub3A_466, %sub3A_466 : vector<16xf32>
        %add3A_469 = arith.addf %mul3A_467, %mul3A_468 : vector<16xf32>
        %mul3A_470 = arith.constant -2.000000e+00 : f32
        %mul3A_471 = vector.broadcast %mul3A_470 : f32 to vector<16xf32>
        %mul3A_472 = arith.mulf %mul3A_471, %add3A_469 : vector<16xf32>
        %exp3A_473 = math.exp %mul3A_472 : vector<16xf32>
        %le3A_474 = arith.cmpf ole, %add3A_469, %scan3A_105#4 : vector<16xf32>
        %jit3A_475 = arith.constant 0.000000e+00 : f32
        %broadcast_in_dim3A_476 = vector.broadcast %jit3A_475 : f32 to vector<16xf32>
        %select_n3A_477 = arith.select %le3A_474, %exp3A_473, %broadcast_in_dim3A_476 : vector<16xi1>, vector<16xf32>
        %mul3A_478 = arith.mulf %select_n3A_477, %broadcast_in_dim3A_464 : vector<16xf32>
        %add3A_479 = arith.addf %add3A_454, %mul3A_478 : vector<16xf32>
        %add3A_480 = arith.addf %add3A_455, %select_n3A_477 : vector<16xf32>
        %slice3A_481 = vector.extract_strided_slice %get3A_128 {offsets = [14], sizes = [1], strides = [1]} : vector<16xf32> to vector<1xf32>
        %squeeze3A_482 = vector.extract %slice3A_481[0] : f32 from vector<1xf32>
        %broadcast_in_dim3A_483 = vector.broadcast %squeeze3A_482 : f32 to vector<16xf32>
        %slice3A_484 = vector.extract_strided_slice %get3A_131 {offsets = [14], sizes = [1], strides = [1]} : vector<16xf32> to vector<1xf32>
        %squeeze3A_485 = vector.extract %slice3A_484[0] : f32 from vector<1xf32>
        %broadcast_in_dim3A_486 = vector.broadcast %squeeze3A_485 : f32 to vector<16xf32>
        %slice3A_487 = vector.extract_strided_slice %get3A_134 {offsets = [14], sizes = [1], strides = [1]} : vector<16xf32> to vector<1xf32>
        %squeeze3A_488 = vector.extract %slice3A_487[0] : f32 from vector<1xf32>
        %broadcast_in_dim3A_489 = vector.broadcast %squeeze3A_488 : f32 to vector<16xf32>
        %sub3A_490 = arith.subf %broadcast_in_dim3A, %broadcast_in_dim3A_483 : vector<16xf32>
        %sub3A_491 = arith.subf %mul3A_98, %broadcast_in_dim3A_486 : vector<16xf32>
        %mul3A_492 = arith.mulf %sub3A_490, %sub3A_490 : vector<16xf32>
        %mul3A_493 = arith.mulf %sub3A_491, %sub3A_491 : vector<16xf32>
        %add3A_494 = arith.addf %mul3A_492, %mul3A_493 : vector<16xf32>
        %mul3A_495 = arith.constant -2.000000e+00 : f32
        %mul3A_496 = vector.broadcast %mul3A_495 : f32 to vector<16xf32>
        %mul3A_497 = arith.mulf %mul3A_496, %add3A_494 : vector<16xf32>
        %exp3A_498 = math.exp %mul3A_497 : vector<16xf32>
        %le3A_499 = arith.cmpf ole, %add3A_494, %scan3A_105#4 : vector<16xf32>
        %jit3A_500 = arith.constant 0.000000e+00 : f32
        %broadcast_in_dim3A_501 = vector.broadcast %jit3A_500 : f32 to vector<16xf32>
        %select_n3A_502 = arith.select %le3A_499, %exp3A_498, %broadcast_in_dim3A_501 : vector<16xi1>, vector<16xf32>
        %mul3A_503 = arith.mulf %select_n3A_502, %broadcast_in_dim3A_489 : vector<16xf32>
        %add3A_504 = arith.addf %add3A_479, %mul3A_503 : vector<16xf32>
        %add3A_505 = arith.addf %add3A_480, %select_n3A_502 : vector<16xf32>
        %slice3A_506 = vector.extract_strided_slice %get3A_128 {offsets = [15], sizes = [1], strides = [1]} : vector<16xf32> to vector<1xf32>
        %squeeze3A_507 = vector.extract %slice3A_506[0] : f32 from vector<1xf32>
        %broadcast_in_dim3A_508 = vector.broadcast %squeeze3A_507 : f32 to vector<16xf32>
        %slice3A_509 = vector.extract_strided_slice %get3A_131 {offsets = [15], sizes = [1], strides = [1]} : vector<16xf32> to vector<1xf32>
        %squeeze3A_510 = vector.extract %slice3A_509[0] : f32 from vector<1xf32>
        %broadcast_in_dim3A_511 = vector.broadcast %squeeze3A_510 : f32 to vector<16xf32>
        %slice3A_512 = vector.extract_strided_slice %get3A_134 {offsets = [15], sizes = [1], strides = [1]} : vector<16xf32> to vector<1xf32>
        %squeeze3A_513 = vector.extract %slice3A_512[0] : f32 from vector<1xf32>
        %broadcast_in_dim3A_514 = vector.broadcast %squeeze3A_513 : f32 to vector<16xf32>
        %sub3A_515 = arith.subf %broadcast_in_dim3A, %broadcast_in_dim3A_508 : vector<16xf32>
        %sub3A_516 = arith.subf %mul3A_98, %broadcast_in_dim3A_511 : vector<16xf32>
        %mul3A_517 = arith.mulf %sub3A_515, %sub3A_515 : vector<16xf32>
        %mul3A_518 = arith.mulf %sub3A_516, %sub3A_516 : vector<16xf32>
        %add3A_519 = arith.addf %mul3A_517, %mul3A_518 : vector<16xf32>
        %mul3A_520 = arith.constant -2.000000e+00 : f32
        %mul3A_521 = vector.broadcast %mul3A_520 : f32 to vector<16xf32>
        %mul3A_522 = arith.mulf %mul3A_521, %add3A_519 : vector<16xf32>
        %exp3A_523 = math.exp %mul3A_522 : vector<16xf32>
        %le3A_524 = arith.cmpf ole, %add3A_519, %scan3A_105#4 : vector<16xf32>
        %jit3A_525 = arith.constant 0.000000e+00 : f32
        %broadcast_in_dim3A_526 = vector.broadcast %jit3A_525 : f32 to vector<16xf32>
        %select_n3A_527 = arith.select %le3A_524, %exp3A_523, %broadcast_in_dim3A_526 : vector<16xi1>, vector<16xf32>
        %mul3A_528 = arith.mulf %select_n3A_527, %broadcast_in_dim3A_514 : vector<16xf32>
        %add3A_529 = arith.addf %add3A_504, %mul3A_528 : vector<16xf32>
        %add3A_530 = arith.addf %add3A_505, %select_n3A_527 : vector<16xf32>
        scf.yield %add3A_529, %add3A_530 : vector<16xf32>, vector<16xf32>
      }
      %scan3A_114 = arith.constant 512 : i32
      %div3A_115 = arith.divf %scan3A_113#0, %scan3A_113#1 : vector<16xf32>
      %mul3A_116 = arith.constant 16 : i32
      %mul3A_117 = arith.muli %scan3A_45, %mul3A_116 : i32
      %swap3A = arith.index_cast %mul3A_117 : i32 to index
      %swap3A_118 = tpu.vector_load %arg9[%swap3A] {strides = array<i32>} : memref<448xf32, #tpu.memory_space<vmem>>, vector<16xf32>,
      %swap3A_119 = vector.shape_cast %swap3A_118 : vector<16xf32> to vector<16xf32>
      %swap3A_120 = vector.shape_cast %div3A_115 : vector<16xf32> to vector<16xf32>
      tpu.vector_store %arg9[%swap3A], %swap3A_120 {strides = array<i32>} : memref<448xf32, #tpu.memory_space<vmem>>, vector<16xf32>,
      %scan3A_121 = arith.constant 0 : i32
      scf.yield %scan3A_121 : i32
    }
    %scan3A_41 = arith.constant 28 : i32
    %mul3A_42 = arith.constant 448 : i32
    %mul3A_43 = arith.muli %add3A, %mul3A_42 : i32
    %multiple_of3A_44 = tpu.assume_multiple %mul3A_43, 8 : i32
    "tpu.region"() ({
      %run_scoped3A = tpu.sem_alloc : memref<!tpu.dma_semaphore, #tpu.memory_space<semaphore_mem>>
      %dma_start3A = tpu.memref_slice %arg5[%multiple_of3A_44] : memref<14336xf32, #tpu.memory_space<hbm>> -> memref<448xf32, #tpu.memory_space<hbm>>
      %dma_start3A_45 = tpu.memref_slice %arg5[%multiple_of3A_44] : memref<14336xf32, #tpu.memory_space<hbm>> -> memref<448xf32, #tpu.memory_space<hbm>>
      tpu.enqueue_dma source(%arg9 : memref<448xf32, #tpu.memory_space<vmem>>) target(%dma_start3A_45 : memref<448xf32, #tpu.memory_space<hbm>>) target_semaphore(%run_scoped3A : memref<!tpu.dma_semaphore, #tpu.memory_space<semaphore_mem>>)
      %dma_wait3A = tpu.memref_slice %arg5[%multiple_of3A_44] : memref<14336xf32, #tpu.memory_space<hbm>> -> memref<448xf32, #tpu.memory_space<hbm>>
      %dma_wait3A_46 = tpu.memref_slice %arg5[%multiple_of3A_44] : memref<14336xf32, #tpu.memory_space<hbm>> -> memref<448xf32, #tpu.memory_space<hbm>>
      tpu.wait_dma2 semaphore(%run_scoped3A : memref<!tpu.dma_semaphore, #tpu.memory_space<semaphore_mem>>) src(%arg9 : memref<448xf32, #tpu.memory_space<vmem>>) dst(%dma_wait3A_46 : memref<448xf32, #tpu.memory_space<hbm>>)
      tpu.yield
    }) : () -> ()
    return
  }
}

module attributes {stable_mosaic.version = 14 : i64} {
  func.func @_knn_body(%arg0: i32, %arg1: i32, %arg2: memref<1x1x8192xf32, #tpu.memory_space<vmem>>, %arg3: memref<1x1x8192xf32, #tpu.memory_space<vmem>>, %arg4: memref<1x1x8192xf32, #tpu.memory_space<vmem>>, %arg5: memref<1x1x256xf32, #tpu.memory_space<vmem>>) attributes {dimension_semantics = [#tpu.dimension_semantics<arbitrary>, #tpu.dimension_semantics<arbitrary>], iteration_bounds = array<i64: 2, 100>, scalar_prefetch = 0 : i64, scratch_operands = 0 : i64, tpu.core_type = #tpu.core_type<tc>, window_params = [{transform_indices = @transform_0, window_bounds = array<i64: 1, 1, 8192>}, {transform_indices = @transform_1, window_bounds = array<i64: 1, 1, 8192>}, {transform_indices = @transform_2, window_bounds = array<i64: 1, 1, 8192>}, {transform_indices = @transform_3, window_bounds = array<i64: 1, 1, 256>}]} {
    %mul3A = arith.constant 256 : i32
    %mul3A_0 = arith.muli %arg1, %mul3A : i32
    %add3A = arith.constant 7168 : i32
    %add3A_1 = arith.addi %add3A, %mul3A_0 : i32
    %jit3A = arith.constant 256 : i32
    %div3A = arith.divsi %add3A_1, %jit3A : i32
    %sign3A = arith.constant 0 : i32
    %sign3A_2 = arith.cmpi sgt, %add3A_1, %sign3A : i32
    %sign3A_3 = arith.extui %sign3A_2 : i1 to i32
    %sign3A_4 = arith.constant 0 : i32
    %sign3A_5 = arith.cmpi slt, %add3A_1, %sign3A_4 : i32
    %sign3A_6 = arith.extui %sign3A_5 : i1 to i32
    %sign3A_7 = arith.subi %sign3A_3, %sign3A_6 : i32
    %sign3A_8 = arith.constant 0 : i32
    %sign3A_9 = arith.cmpi sgt, %jit3A, %sign3A_8 : i32
    %sign3A_10 = arith.extui %sign3A_9 : i1 to i32
    %sign3A_11 = arith.constant 0 : i32
    %sign3A_12 = arith.cmpi slt, %jit3A, %sign3A_11 : i32
    %sign3A_13 = arith.extui %sign3A_12 : i1 to i32
    %sign3A_14 = arith.subi %sign3A_10, %sign3A_13 : i32
    %ne3A = arith.cmpi ne, %sign3A_7, %sign3A_14 : i32
    %rem3A = arith.remsi %add3A_1, %jit3A : i32
    %ne3A_15 = arith.constant 0 : i32
    %ne3A_16 = arith.cmpi ne, %rem3A, %ne3A_15 : i32
    %and3A = arith.andi %ne3A, %ne3A_16 : i1
    %sub3A = arith.constant 1 : i32
    %sub3A_17 = arith.subi %div3A, %sub3A : i32
    %select_n3A = arith.select %and3A, %sub3A_17, %div3A : i32
    %convert_element_type3A = arith.sitofp %select_n3A : i32 to f32
    %mul3A_18 = arith.constant 0.0245436933 : f32
    %mul3A_19 = arith.mulf %convert_element_type3A, %mul3A_18 : f32
    %jit3A_20 = arith.constant 256 : i32
    %eq3A = arith.constant 0 : i32
    %eq3A_21 = arith.cmpi eq, %jit3A_20, %eq3A : i32
    %jit3A_22 = arith.constant 1 : i32
    %select_n3A_23 = arith.select %eq3A_21, %jit3A_22, %jit3A_20 : i32
    %rem3A_24 = arith.remsi %add3A_1, %select_n3A_23 : i32
    %ne3A_25 = arith.constant 0 : i32
    %ne3A_26 = arith.cmpi ne, %rem3A_24, %ne3A_25 : i32
    %lt3A = arith.constant 0 : i32
    %lt3A_27 = arith.cmpi slt, %rem3A_24, %lt3A : i32
    %lt3A_28 = arith.constant 0 : i32
    %lt3A_29 = arith.cmpi slt, %select_n3A_23, %lt3A_28 : i32
    %ne3A_30 = arith.xori %lt3A_27, %lt3A_29 : i1
    %and3A_31 = arith.andi %ne3A_30, %ne3A_26 : i1
    %add3A_32 = arith.addi %rem3A_24, %select_n3A_23 : i32
    %select_n3A_33 = arith.select %and3A_31, %add3A_32, %rem3A_24 : i32
    %convert_element_type3A_34 = arith.sitofp %select_n3A_33 : i32 to f32
    %sub3A_35 = arith.constant 1.280000e+02 : f32
    %sub3A_36 = arith.subf %convert_element_type3A_34, %sub3A_35 : f32
    %mul3A_37 = arith.constant 0.0245436933 : f32
    %mul3A_38 = arith.mulf %sub3A_36, %mul3A_37 : f32
    %iota3A = tpu.iota {dimensions = array<i32: 0>} : vector<256x1xi32>
    %convert_element_type3A_39 = arith.sitofp %iota3A : vector<256x1xi32> to vector<256x1xf32>
    %mul3A_40 = arith.constant 0.0245436933 : f32
    %mul3A_41 = vector.broadcast %mul3A_40 : f32 to vector<256x1xf32>
    %mul3A_42 = arith.mulf %convert_element_type3A_39, %mul3A_41 : vector<256x1xf32>
    %add3A_43 = vector.broadcast %mul3A_38 : f32 to vector<256x1xf32>
    %add3A_44 = arith.addf %add3A_43, %mul3A_42 : vector<256x1xf32>
    %get3A = arith.constant 0 : index
    %get3A_45 = arith.constant 0 : index
    %get3A_46 = arith.constant 0 : index
    %get3A_47 = vector.load %arg2[%get3A, %get3A_45, %get3A_46] : memref<1x1x8192xf32, #tpu.memory_space<vmem>>, vector<1x1x8192xf32>
    %get3A_48 = vector.shape_cast %get3A_47 : vector<1x1x8192xf32> to vector<1x8192xf32>
    %get3A_49 = arith.constant 0 : index
    %get3A_50 = arith.constant 0 : index
    %get3A_51 = arith.constant 0 : index
    %get3A_52 = vector.load %arg3[%get3A_49, %get3A_50, %get3A_51] : memref<1x1x8192xf32, #tpu.memory_space<vmem>>, vector<1x1x8192xf32>
    %get3A_53 = vector.shape_cast %get3A_52 : vector<1x1x8192xf32> to vector<1x8192xf32>
    %get3A_54 = arith.constant 0 : index
    %get3A_55 = arith.constant 0 : index
    %get3A_56 = arith.constant 0 : index
    %get3A_57 = vector.load %arg4[%get3A_54, %get3A_55, %get3A_56] : memref<1x1x8192xf32, #tpu.memory_space<vmem>>, vector<1x1x8192xf32>
    %get3A_58 = vector.shape_cast %get3A_57 : vector<1x1x8192xf32> to vector<1x8192xf32>
    %sub3A_59 = vector.broadcast %mul3A_19 : f32 to vector<1x8192xf32>
    %sub3A_60 = arith.subf %sub3A_59, %get3A_48 : vector<1x8192xf32>
    %mul3A_61 = arith.mulf %sub3A_60, %sub3A_60 : vector<1x8192xf32>
    %sub3A_62 = vector.broadcast %add3A_44 : vector<256x1xf32> to vector<256x8192xf32>
    %sub3A_63 = vector.broadcast %get3A_53 : vector<1x8192xf32> to vector<256x8192xf32>
    %sub3A_64 = arith.subf %sub3A_62, %sub3A_63 : vector<256x8192xf32>
    %mul3A_65 = arith.mulf %sub3A_64, %sub3A_64 : vector<256x8192xf32>
    %add3A_66 = vector.broadcast %mul3A_61 : vector<1x8192xf32> to vector<256x8192xf32>
    %add3A_67 = arith.addf %add3A_66, %mul3A_65 : vector<256x8192xf32>
    %mul3A_68 = arith.constant -2.000000e+00 : f32
    %mul3A_69 = vector.broadcast %mul3A_68 : f32 to vector<256x8192xf32>
    %mul3A_70 = arith.mulf %mul3A_69, %add3A_67 : vector<256x8192xf32>
    %exp3A = math.exp %mul3A_70 : vector<256x8192xf32>
    %mul3A_71 = vector.broadcast %get3A_58 : vector<1x8192xf32> to vector<256x8192xf32>
    %mul3A_72 = arith.mulf %exp3A, %mul3A_71 : vector<256x8192xf32>
    %mul3A_73 = arith.constant -2.000000e+00 : f32
    %mul3A_74 = vector.broadcast %mul3A_73 : f32 to vector<256x8192xf32>
    %mul3A_75 = arith.mulf %mul3A_74, %add3A_67 : vector<256x8192xf32>
    %exp3A_76 = math.exp %mul3A_75 : vector<256x8192xf32>
    %reduce_min3A = arith.constant dense<0x7F800000> : vector<256xf32>
    %reduce_min3A_77 = vector.multi_reduction <minimumf>, %add3A_67, %reduce_min3A [1] : vector<256x8192xf32> to vector<256xf32>
    %broadcast_in_dim3A = vector.shape_cast %reduce_min3A_77 : vector<256xf32> to vector<256x1xf32>
    %eq3A_78 = vector.broadcast %broadcast_in_dim3A : vector<256x1xf32> to vector<256x8192xf32>
    %eq3A_79 = arith.cmpf oeq, %add3A_67, %eq3A_78 : vector<256x8192xf32>
    %jit3A_80 = arith.constant 1.000000e+30 : f32
    %broadcast_in_dim3A_81 = vector.broadcast %jit3A_80 : f32 to vector<256x8192xf32>
    %select_n3A_82 = arith.select %eq3A_79, %broadcast_in_dim3A_81, %add3A_67 : vector<256x8192xi1>, vector<256x8192xf32>
    %reduce_min3A_83 = arith.constant dense<0x7F800000> : vector<256xf32>
    %reduce_min3A_84 = vector.multi_reduction <minimumf>, %select_n3A_82, %reduce_min3A_83 [1] : vector<256x8192xf32> to vector<256xf32>
    %broadcast_in_dim3A_85 = vector.shape_cast %reduce_min3A_84 : vector<256xf32> to vector<256x1xf32>
    %eq3A_86 = vector.broadcast %broadcast_in_dim3A_85 : vector<256x1xf32> to vector<256x8192xf32>
    %eq3A_87 = arith.cmpf oeq, %select_n3A_82, %eq3A_86 : vector<256x8192xf32>
    %jit3A_88 = arith.constant 1.000000e+30 : f32
    %broadcast_in_dim3A_89 = vector.broadcast %jit3A_88 : f32 to vector<256x8192xf32>
    %select_n3A_90 = arith.select %eq3A_87, %broadcast_in_dim3A_89, %select_n3A_82 : vector<256x8192xi1>, vector<256x8192xf32>
    %reduce_min3A_91 = arith.constant dense<0x7F800000> : vector<256xf32>
    %reduce_min3A_92 = vector.multi_reduction <minimumf>, %select_n3A_90, %reduce_min3A_91 [1] : vector<256x8192xf32> to vector<256xf32>
    %broadcast_in_dim3A_93 = vector.shape_cast %reduce_min3A_92 : vector<256xf32> to vector<256x1xf32>
    %eq3A_94 = vector.broadcast %broadcast_in_dim3A_93 : vector<256x1xf32> to vector<256x8192xf32>
    %eq3A_95 = arith.cmpf oeq, %select_n3A_90, %eq3A_94 : vector<256x8192xf32>
    %jit3A_96 = arith.constant 1.000000e+30 : f32
    %broadcast_in_dim3A_97 = vector.broadcast %jit3A_96 : f32 to vector<256x8192xf32>
    %select_n3A_98 = arith.select %eq3A_95, %broadcast_in_dim3A_97, %select_n3A_90 : vector<256x8192xi1>, vector<256x8192xf32>
    %reduce_min3A_99 = arith.constant dense<0x7F800000> : vector<256xf32>
    %reduce_min3A_100 = vector.multi_reduction <minimumf>, %select_n3A_98, %reduce_min3A_99 [1] : vector<256x8192xf32> to vector<256xf32>
    %broadcast_in_dim3A_101 = vector.shape_cast %reduce_min3A_100 : vector<256xf32> to vector<256x1xf32>
    %eq3A_102 = vector.broadcast %broadcast_in_dim3A_101 : vector<256x1xf32> to vector<256x8192xf32>
    %eq3A_103 = arith.cmpf oeq, %select_n3A_98, %eq3A_102 : vector<256x8192xf32>
    %jit3A_104 = arith.constant 1.000000e+30 : f32
    %broadcast_in_dim3A_105 = vector.broadcast %jit3A_104 : f32 to vector<256x8192xf32>
    %select_n3A_106 = arith.select %eq3A_103, %broadcast_in_dim3A_105, %select_n3A_98 : vector<256x8192xi1>, vector<256x8192xf32>
    %reduce_min3A_107 = arith.constant dense<0x7F800000> : vector<256xf32>
    %reduce_min3A_108 = vector.multi_reduction <minimumf>, %select_n3A_106, %reduce_min3A_107 [1] : vector<256x8192xf32> to vector<256xf32>
    %broadcast_in_dim3A_109 = vector.shape_cast %reduce_min3A_108 : vector<256xf32> to vector<256x1xf32>
    %eq3A_110 = vector.broadcast %broadcast_in_dim3A_109 : vector<256x1xf32> to vector<256x8192xf32>
    %eq3A_111 = arith.cmpf oeq, %select_n3A_106, %eq3A_110 : vector<256x8192xf32>
    %jit3A_112 = arith.constant 1.000000e+30 : f32
    %broadcast_in_dim3A_113 = vector.broadcast %jit3A_112 : f32 to vector<256x8192xf32>
    %select_n3A_114 = arith.select %eq3A_111, %broadcast_in_dim3A_113, %select_n3A_106 : vector<256x8192xi1>, vector<256x8192xf32>
    %ge3A = arith.constant 1.000000e+30 : f32
    %ge3A_115 = vector.broadcast %ge3A : f32 to vector<256x8192xf32>
    %ge3A_116 = arith.cmpf oge, %select_n3A_114, %ge3A_115 : vector<256x8192xf32>
    %jit3A_117 = arith.constant 0.000000e+00 : f32
    %broadcast_in_dim3A_118 = vector.broadcast %jit3A_117 : f32 to vector<256x8192xf32>
    %select_n3A_119 = arith.select %ge3A_116, %mul3A_72, %broadcast_in_dim3A_118 : vector<256x8192xi1>, vector<256x8192xf32>
    %reduce_sum3A = arith.constant dense<0.000000e+00> : vector<256xf32>
    %reduce_sum3A_120 = vector.multi_reduction <add>, %select_n3A_119, %reduce_sum3A [1] : vector<256x8192xf32> to vector<256xf32>
    %jit3A_121 = arith.constant 0.000000e+00 : f32
    %broadcast_in_dim3A_122 = vector.broadcast %jit3A_121 : f32 to vector<256x8192xf32>
    %select_n3A_123 = arith.select %ge3A_116, %exp3A_76, %broadcast_in_dim3A_122 : vector<256x8192xi1>, vector<256x8192xf32>
    %reduce_sum3A_124 = arith.constant dense<0.000000e+00> : vector<256xf32>
    %reduce_sum3A_125 = vector.multi_reduction <add>, %select_n3A_123, %reduce_sum3A_124 [1] : vector<256x8192xf32> to vector<256xf32>
    %div3A_126 = arith.divf %reduce_sum3A_120, %reduce_sum3A_125 : vector<256xf32>
    %swap3A = arith.constant 0 : index
    %swap3A_127 = arith.constant 0 : index
    %swap3A_128 = arith.constant 0 : index
    %swap3A_129 = vector.load %arg5[%swap3A, %swap3A_127, %swap3A_128] : memref<1x1x256xf32, #tpu.memory_space<vmem>>, vector<1x1x256xf32>
    %swap3A_130 = vector.shape_cast %swap3A_129 : vector<1x1x256xf32> to vector<256xf32>
    %swap3A_131 = vector.shape_cast %div3A_126 : vector<256xf32> to vector<1x1x256xf32>
    tpu.vector_store %arg5[%swap3A, %swap3A_127, %swap3A_128], %swap3A_131 {strides = array<i32>} : memref<1x1x256xf32, #tpu.memory_space<vmem>>, vector<1x1x256xf32>,
    return
  }
  func.func @transform_0(%arg0: i32, %arg1: i32) -> (i32, i32, i32) {
    %c0_i32 = arith.constant 0 : i32
    %c0_i32_0 = arith.constant 0 : i32
    %c0_i32_1 = arith.constant 0 : i32
    return %arg0, %c0_i32, %c0_i32_0 : i32, i32, i32
  }
  func.func @transform_1(%arg0: i32, %arg1: i32) -> (i32, i32, i32) {
    %c0_i32 = arith.constant 0 : i32
    %c0_i32_0 = arith.constant 0 : i32
    %c0_i32_1 = arith.constant 0 : i32
    return %arg0, %c0_i32, %c0_i32_0 : i32, i32, i32
  }
  func.func @transform_2(%arg0: i32, %arg1: i32) -> (i32, i32, i32) {
    %c0_i32 = arith.constant 0 : i32
    %c0_i32_0 = arith.constant 0 : i32
    %c0_i32_1 = arith.constant 0 : i32
    return %arg0, %c0_i32, %c0_i32_0 : i32, i32, i32
  }
  func.func @transform_3(%arg0: i32, %arg1: i32) -> (i32, i32, i32) {
    %mul3A = arith.constant 100 : i32
    %mul3A_0 = arith.muli %arg0, %mul3A : i32
    %add3A = arith.addi %mul3A_0, %arg1 : i32
    %c0_i32 = arith.constant 0 : i32
    %c0_i32_1 = arith.constant 0 : i32
    %c0_i32_2 = arith.constant 0 : i32
    return %add3A, %c0_i32, %c0_i32_1 : i32, i32, i32
  }
}

module attributes {stable_mosaic.version = 14 : i64} {
  func.func @_sph_body(%arg0: memref<2x8192xf32, #tpu.memory_space<vmem>>, %arg1: memref<2x8192xf32, #tpu.memory_space<vmem>>, %arg2: memref<2x8192xf32, #tpu.memory_space<vmem>>, %arg3: memref<2x8192xf32, #tpu.memory_space<vmem>>, %arg4: memref<2x8192xf32, #tpu.memory_space<vmem>>, %arg5: memref<2x8192xf32, #tpu.memory_space<vmem>>) attributes {dimension_semantics = [], scalar_prefetch = 0 : i64, scratch_operands = 0 : i64, tpu.core_type = #tpu.core_type<tc>} {
    %get3A = arith.constant 0 : index
    %get3A_0 = arith.constant 0 : index
    %get3A_1 = vector.load %arg0[%get3A, %get3A_0] : memref<2x8192xf32, #tpu.memory_space<vmem>>, vector<2x8192xf32>
    %get3A_2 = arith.constant 0 : index
    %get3A_3 = arith.constant 0 : index
    %get3A_4 = vector.load %arg1[%get3A_2, %get3A_3] : memref<2x8192xf32, #tpu.memory_space<vmem>>, vector<2x8192xf32>
    %get3A_5 = arith.constant 0 : index
    %get3A_6 = arith.constant 0 : index
    %get3A_7 = vector.load %arg2[%get3A_5, %get3A_6] : memref<2x8192xf32, #tpu.memory_space<vmem>>, vector<2x8192xf32>
    %mul3A = arith.mulf %get3A_1, %get3A_1 : vector<2x8192xf32>
    %mul3A_8 = arith.mulf %get3A_4, %get3A_4 : vector<2x8192xf32>
    %add3A = arith.addf %mul3A, %mul3A_8 : vector<2x8192xf32>
    %mul3A_9 = arith.mulf %get3A_7, %get3A_7 : vector<2x8192xf32>
    %add3A_10 = arith.addf %add3A, %mul3A_9 : vector<2x8192xf32>
    %sqrt3A = math.sqrt %add3A_10 : vector<2x8192xf32>
    %mul3A_11 = arith.mulf %get3A_4, %get3A_4 : vector<2x8192xf32>
    %mul3A_12 = arith.mulf %get3A_7, %get3A_7 : vector<2x8192xf32>
    %add3A_13 = arith.addf %mul3A_11, %mul3A_12 : vector<2x8192xf32>
    %sqrt3A_14 = math.sqrt %add3A_13 : vector<2x8192xf32>
    %div3A = arith.divf %get3A_1, %sqrt3A : vector<2x8192xf32>
    %neg3A = arith.constant 0.000000e+00 : f32
    %neg3A_15 = arith.constant 1.000000e+00 : f32
    %neg3A_16 = arith.subf %neg3A, %neg3A_15 : f32
    %add3A_17 = arith.constant 1.000000e-07 : f32
    %add3A_18 = arith.addf %neg3A_16, %add3A_17 : f32
    %sub3A = arith.constant 1.000000e+00 : f32
    %sub3A_19 = arith.constant 1.000000e-07 : f32
    %sub3A_20 = arith.subf %sub3A, %sub3A_19 : f32
    %max3A = vector.broadcast %add3A_18 : f32 to vector<2x8192xf32>
    %max3A_21 = arith.maximumf %max3A, %div3A : vector<2x8192xf32>
    %min3A = vector.broadcast %sub3A_20 : f32 to vector<2x8192xf32>
    %min3A_22 = arith.minimumf %min3A, %max3A_21 : vector<2x8192xf32>
    %abs3A = math.absf %min3A_22 : vector<2x8192xf32>
    %mul3A_23 = arith.constant -0.0012624911 : f32
    %mul3A_24 = vector.broadcast %mul3A_23 : f32 to vector<2x8192xf32>
    %mul3A_25 = arith.mulf %mul3A_24, %abs3A : vector<2x8192xf32>
    %add3A_26 = arith.constant 6.670090e-03 : f32
    %add3A_27 = vector.broadcast %add3A_26 : f32 to vector<2x8192xf32>
    %add3A_28 = arith.addf %mul3A_25, %add3A_27 : vector<2x8192xf32>
    %mul3A_29 = arith.mulf %add3A_28, %abs3A : vector<2x8192xf32>
    %add3A_30 = arith.constant -0.0170881264 : f32
    %add3A_31 = vector.broadcast %add3A_30 : f32 to vector<2x8192xf32>
    %add3A_32 = arith.addf %mul3A_29, %add3A_31 : vector<2x8192xf32>
    %mul3A_33 = arith.mulf %add3A_32, %abs3A : vector<2x8192xf32>
    %add3A_34 = arith.constant 0.0308918804 : f32
    %add3A_35 = vector.broadcast %add3A_34 : f32 to vector<2x8192xf32>
    %add3A_36 = arith.addf %mul3A_33, %add3A_35 : vector<2x8192xf32>
    %mul3A_37 = arith.mulf %add3A_36, %abs3A : vector<2x8192xf32>
    %add3A_38 = arith.constant -0.0501743034 : f32
    %add3A_39 = vector.broadcast %add3A_38 : f32 to vector<2x8192xf32>
    %add3A_40 = arith.addf %mul3A_37, %add3A_39 : vector<2x8192xf32>
    %mul3A_41 = arith.mulf %add3A_40, %abs3A : vector<2x8192xf32>
    %add3A_42 = arith.constant 0.0889789909 : f32
    %add3A_43 = vector.broadcast %add3A_42 : f32 to vector<2x8192xf32>
    %add3A_44 = arith.addf %mul3A_41, %add3A_43 : vector<2x8192xf32>
    %mul3A_45 = arith.mulf %add3A_44, %abs3A : vector<2x8192xf32>
    %add3A_46 = arith.constant -0.214598805 : f32
    %add3A_47 = vector.broadcast %add3A_46 : f32 to vector<2x8192xf32>
    %add3A_48 = arith.addf %mul3A_45, %add3A_47 : vector<2x8192xf32>
    %mul3A_49 = arith.mulf %add3A_48, %abs3A : vector<2x8192xf32>
    %add3A_50 = arith.constant 1.57079625 : f32
    %add3A_51 = vector.broadcast %add3A_50 : f32 to vector<2x8192xf32>
    %add3A_52 = arith.addf %mul3A_49, %add3A_51 : vector<2x8192xf32>
    %sub3A_53 = arith.constant 1.000000e+00 : f32
    %sub3A_54 = vector.broadcast %sub3A_53 : f32 to vector<2x8192xf32>
    %sub3A_55 = arith.subf %sub3A_54, %abs3A : vector<2x8192xf32>
    %max3A_56 = arith.constant 0.000000e+00 : f32
    %max3A_57 = vector.broadcast %max3A_56 : f32 to vector<2x8192xf32>
    %max3A_58 = arith.maximumf %sub3A_55, %max3A_57 : vector<2x8192xf32>
    %sqrt3A_59 = math.sqrt %max3A_58 : vector<2x8192xf32>
    %mul3A_60 = arith.mulf %sqrt3A_59, %add3A_52 : vector<2x8192xf32>
    %lt3A = arith.constant 0.000000e+00 : f32
    %lt3A_61 = vector.broadcast %lt3A : f32 to vector<2x8192xf32>
    %lt3A_62 = arith.cmpf olt, %min3A_22, %lt3A_61 : vector<2x8192xf32>
    %sub3A_63 = arith.constant 3.14159274 : f32
    %sub3A_64 = vector.broadcast %sub3A_63 : f32 to vector<2x8192xf32>
    %sub3A_65 = arith.subf %sub3A_64, %mul3A_60 : vector<2x8192xf32>
    %select_n3A = arith.select %lt3A_62, %sub3A_65, %mul3A_60 : vector<2x8192xi1>, vector<2x8192xf32>
    %div3A_66 = arith.divf %get3A_4, %sqrt3A_14 : vector<2x8192xf32>
    %neg3A_67 = arith.constant 0.000000e+00 : f32
    %neg3A_68 = arith.constant 1.000000e+00 : f32
    %neg3A_69 = arith.subf %neg3A_67, %neg3A_68 : f32
    %add3A_70 = arith.constant 1.000000e-07 : f32
    %add3A_71 = arith.addf %neg3A_69, %add3A_70 : f32
    %sub3A_72 = arith.constant 1.000000e+00 : f32
    %sub3A_73 = arith.constant 1.000000e-07 : f32
    %sub3A_74 = arith.subf %sub3A_72, %sub3A_73 : f32
    %max3A_75 = vector.broadcast %add3A_71 : f32 to vector<2x8192xf32>
    %max3A_76 = arith.maximumf %max3A_75, %div3A_66 : vector<2x8192xf32>
    %min3A_77 = vector.broadcast %sub3A_74 : f32 to vector<2x8192xf32>
    %min3A_78 = arith.minimumf %min3A_77, %max3A_76 : vector<2x8192xf32>
    %abs3A_79 = math.absf %min3A_78 : vector<2x8192xf32>
    %mul3A_80 = arith.constant -0.0012624911 : f32
    %mul3A_81 = vector.broadcast %mul3A_80 : f32 to vector<2x8192xf32>
    %mul3A_82 = arith.mulf %mul3A_81, %abs3A_79 : vector<2x8192xf32>
    %add3A_83 = arith.constant 6.670090e-03 : f32
    %add3A_84 = vector.broadcast %add3A_83 : f32 to vector<2x8192xf32>
    %add3A_85 = arith.addf %mul3A_82, %add3A_84 : vector<2x8192xf32>
    %mul3A_86 = arith.mulf %add3A_85, %abs3A_79 : vector<2x8192xf32>
    %add3A_87 = arith.constant -0.0170881264 : f32
    %add3A_88 = vector.broadcast %add3A_87 : f32 to vector<2x8192xf32>
    %add3A_89 = arith.addf %mul3A_86, %add3A_88 : vector<2x8192xf32>
    %mul3A_90 = arith.mulf %add3A_89, %abs3A_79 : vector<2x8192xf32>
    %add3A_91 = arith.constant 0.0308918804 : f32
    %add3A_92 = vector.broadcast %add3A_91 : f32 to vector<2x8192xf32>
    %add3A_93 = arith.addf %mul3A_90, %add3A_92 : vector<2x8192xf32>
    %mul3A_94 = arith.mulf %add3A_93, %abs3A_79 : vector<2x8192xf32>
    %add3A_95 = arith.constant -0.0501743034 : f32
    %add3A_96 = vector.broadcast %add3A_95 : f32 to vector<2x8192xf32>
    %add3A_97 = arith.addf %mul3A_94, %add3A_96 : vector<2x8192xf32>
    %mul3A_98 = arith.mulf %add3A_97, %abs3A_79 : vector<2x8192xf32>
    %add3A_99 = arith.constant 0.0889789909 : f32
    %add3A_100 = vector.broadcast %add3A_99 : f32 to vector<2x8192xf32>
    %add3A_101 = arith.addf %mul3A_98, %add3A_100 : vector<2x8192xf32>
    %mul3A_102 = arith.mulf %add3A_101, %abs3A_79 : vector<2x8192xf32>
    %add3A_103 = arith.constant -0.214598805 : f32
    %add3A_104 = vector.broadcast %add3A_103 : f32 to vector<2x8192xf32>
    %add3A_105 = arith.addf %mul3A_102, %add3A_104 : vector<2x8192xf32>
    %mul3A_106 = arith.mulf %add3A_105, %abs3A_79 : vector<2x8192xf32>
    %add3A_107 = arith.constant 1.57079625 : f32
    %add3A_108 = vector.broadcast %add3A_107 : f32 to vector<2x8192xf32>
    %add3A_109 = arith.addf %mul3A_106, %add3A_108 : vector<2x8192xf32>
    %sub3A_110 = arith.constant 1.000000e+00 : f32
    %sub3A_111 = vector.broadcast %sub3A_110 : f32 to vector<2x8192xf32>
    %sub3A_112 = arith.subf %sub3A_111, %abs3A_79 : vector<2x8192xf32>
    %max3A_113 = arith.constant 0.000000e+00 : f32
    %max3A_114 = vector.broadcast %max3A_113 : f32 to vector<2x8192xf32>
    %max3A_115 = arith.maximumf %sub3A_112, %max3A_114 : vector<2x8192xf32>
    %sqrt3A_116 = math.sqrt %max3A_115 : vector<2x8192xf32>
    %mul3A_117 = arith.mulf %sqrt3A_116, %add3A_109 : vector<2x8192xf32>
    %lt3A_118 = arith.constant 0.000000e+00 : f32
    %lt3A_119 = vector.broadcast %lt3A_118 : f32 to vector<2x8192xf32>
    %lt3A_120 = arith.cmpf olt, %min3A_78, %lt3A_119 : vector<2x8192xf32>
    %sub3A_121 = arith.constant 3.14159274 : f32
    %sub3A_122 = vector.broadcast %sub3A_121 : f32 to vector<2x8192xf32>
    %sub3A_123 = arith.subf %sub3A_122, %mul3A_117 : vector<2x8192xf32>
    %select_n3A_124 = arith.select %lt3A_120, %sub3A_123, %mul3A_117 : vector<2x8192xi1>, vector<2x8192xf32>
    %mul3A_125 = arith.constant 2.000000e+00 : f32
    %mul3A_126 = vector.broadcast %mul3A_125 : f32 to vector<2x8192xf32>
    %mul3A_127 = arith.mulf %mul3A_126, %select_n3A_124 : vector<2x8192xf32>
    %sub3A_128 = arith.constant 6.28318548 : f32
    %sub3A_129 = vector.broadcast %sub3A_128 : f32 to vector<2x8192xf32>
    %sub3A_130 = arith.subf %sub3A_129, %mul3A_127 : vector<2x8192xf32>
    %lt3A_131 = arith.constant 0.000000e+00 : f32
    %lt3A_132 = vector.broadcast %lt3A_131 : f32 to vector<2x8192xf32>
    %lt3A_133 = arith.cmpf olt, %get3A_7, %lt3A_132 : vector<2x8192xf32>
    %convert_element_type3A = arith.extui %lt3A_133 : vector<2x8192xi1> to vector<2x8192xi32>
    %convert_element_type3A_134 = arith.sitofp %convert_element_type3A : vector<2x8192xi32> to vector<2x8192xf32>
    %mul3A_135 = arith.mulf %sub3A_130, %convert_element_type3A_134 : vector<2x8192xf32>
    %add3A_136 = arith.addf %select_n3A_124, %mul3A_135 : vector<2x8192xf32>
    %sub3A_137 = arith.constant 3.14159274 : f32
    %sub3A_138 = vector.broadcast %sub3A_137 : f32 to vector<2x8192xf32>
    %sub3A_139 = arith.subf %add3A_136, %sub3A_138 : vector<2x8192xf32>
    %swap3A = arith.constant 0 : index
    %swap3A_140 = arith.constant 0 : index
    %swap3A_141 = vector.load %arg3[%swap3A, %swap3A_140] : memref<2x8192xf32, #tpu.memory_space<vmem>>, vector<2x8192xf32>
    tpu.vector_store %arg3[%swap3A, %swap3A_140], %select_n3A {strides = array<i32>} : memref<2x8192xf32, #tpu.memory_space<vmem>>, vector<2x8192xf32>,
    %swap3A_142 = arith.constant 0 : index
    %swap3A_143 = arith.constant 0 : index
    %swap3A_144 = vector.load %arg4[%swap3A_142, %swap3A_143] : memref<2x8192xf32, #tpu.memory_space<vmem>>, vector<2x8192xf32>
    tpu.vector_store %arg4[%swap3A_142, %swap3A_143], %sub3A_139 {strides = array<i32>} : memref<2x8192xf32, #tpu.memory_space<vmem>>, vector<2x8192xf32>,
    %swap3A_145 = arith.constant 0 : index
    %swap3A_146 = arith.constant 0 : index
    %swap3A_147 = vector.load %arg5[%swap3A_145, %swap3A_146] : memref<2x8192xf32, #tpu.memory_space<vmem>>, vector<2x8192xf32>
    tpu.vector_store %arg5[%swap3A_145, %swap3A_146], %sqrt3A {strides = array<i32>} : memref<2x8192xf32, #tpu.memory_space<vmem>>, vector<2x8192xf32>,
    return
  }
}

module attributes {stable_mosaic.version = 14 : i64} {
  func.func @_sht_body(%arg0: i32, %arg1: memref<1x128x256xf32, #tpu.memory_space<vmem>>, %arg2: memref<2560x128xf32, #tpu.memory_space<vmem>>, %arg3: memref<2560x256xf32, #tpu.memory_space<vmem>>, %arg4: memref<1x1x2560xf32, #tpu.memory_space<vmem>>) attributes {dimension_semantics = [#tpu.dimension_semantics<arbitrary>], iteration_bounds = array<i64: 2>, scalar_prefetch = 0 : i64, scratch_operands = 0 : i64, tpu.core_type = #tpu.core_type<tc>, window_params = [{transform_indices = @transform_0, window_bounds = array<i64: 1, 128, 256>}, {pipeline_mode = #tpu.pipeline_mode<synchronous>, transform_indices = @transform_1, window_bounds = array<i64: 2560, 128>}, {pipeline_mode = #tpu.pipeline_mode<synchronous>, transform_indices = @transform_2, window_bounds = array<i64: 2560, 256>}, {transform_indices = @transform_3, window_bounds = array<i64: 1, 1, 2560>}]} {
    %get3A = arith.constant 0 : index
    %get3A_0 = arith.constant 0 : index
    %get3A_1 = arith.constant 0 : index
    %get3A_2 = vector.load %arg1[%get3A, %get3A_0, %get3A_1] : memref<1x128x256xf32, #tpu.memory_space<vmem>>, vector<1x128x256xf32>
    %get3A_3 = vector.shape_cast %get3A_2 : vector<1x128x256xf32> to vector<128x256xf32>
    %get3A_4 = arith.constant 0 : index
    %get3A_5 = arith.constant 0 : index
    %get3A_6 = vector.load %arg2[%get3A_4, %get3A_5] : memref<2560x128xf32, #tpu.memory_space<vmem>>, vector<2560x128xf32>
    %dot_general3A = arith.constant dense<0.000000e+00> : vector<2560x256xf32>
    %dot_general3A_7 = tpu.matmul %get3A_6, %get3A_3, %dot_general3A {dimension_numbers = #tpu.dot_dimension_numbers<[1], [0], [0], [1], [0, 0, 1, 1], [], []>, transpose_lhs_hint = false} : vector<2560x128xf32>, vector<128x256xf32>, vector<2560x256xf32> -> vector<2560x256xf32>
    %get3A_8 = arith.constant 0 : index
    %get3A_9 = arith.constant 0 : index
    %get3A_10 = vector.load %arg3[%get3A_8, %get3A_9] : memref<2560x256xf32, #tpu.memory_space<vmem>>, vector<2560x256xf32>
    %mul3A = arith.mulf %dot_general3A_7, %get3A_10 : vector<2560x256xf32>
    %reduce_sum3A = arith.constant dense<0.000000e+00> : vector<2560xf32>
    %reduce_sum3A_11 = vector.multi_reduction <add>, %mul3A, %reduce_sum3A [1] : vector<2560x256xf32> to vector<2560xf32>
    %swap3A = arith.constant 0 : index
    %swap3A_12 = arith.constant 0 : index
    %swap3A_13 = arith.constant 0 : index
    %swap3A_14 = vector.load %arg4[%swap3A, %swap3A_12, %swap3A_13] : memref<1x1x2560xf32, #tpu.memory_space<vmem>>, vector<1x1x2560xf32>
    %swap3A_15 = vector.shape_cast %swap3A_14 : vector<1x1x2560xf32> to vector<2560xf32>
    %swap3A_16 = vector.shape_cast %reduce_sum3A_11 : vector<2560xf32> to vector<1x1x2560xf32>
    tpu.vector_store %arg4[%swap3A, %swap3A_12, %swap3A_13], %swap3A_16 {strides = array<i32>} : memref<1x1x2560xf32, #tpu.memory_space<vmem>>, vector<1x1x2560xf32>,
    return
  }
  func.func @transform_0(%arg0: i32) -> (i32, i32, i32) {
    %c0_i32 = arith.constant 0 : i32
    %c0_i32_0 = arith.constant 0 : i32
    %c0_i32_1 = arith.constant 0 : i32
    return %arg0, %c0_i32, %c0_i32_0 : i32, i32, i32
  }
  func.func @transform_1(%arg0: i32) -> (i32, i32) {
    %c0_i32 = arith.constant 0 : i32
    %c0_i32_0 = arith.constant 0 : i32
    %c0_i32_1 = arith.constant 0 : i32
    return %c0_i32, %c0_i32_0 : i32, i32
  }
  func.func @transform_2(%arg0: i32) -> (i32, i32) {
    %c0_i32 = arith.constant 0 : i32
    %c0_i32_0 = arith.constant 0 : i32
    %c0_i32_1 = arith.constant 0 : i32
    return %c0_i32, %c0_i32_0 : i32, i32
  }
  func.func @transform_3(%arg0: i32) -> (i32, i32, i32) {
    %c0_i32 = arith.constant 0 : i32
    %c0_i32_0 = arith.constant 0 : i32
    %c0_i32_1 = arith.constant 0 : i32
    return %arg0, %c0_i32, %c0_i32_0 : i32, i32, i32
  }
}

</mosaic_0001>

<sc_bundles>
// kernel: kernel.6.cloned.1.call-start
scs
__scs_entry_jumppad:
0x0: {  	(pc) =	sbr.rel $0x88, $3  }
0x1: {  	(tag) =	ssettag $0x0;
	lr =	simm.s32 $0x1  }
0x2: {  	[smem:$0x3FA0] =	sst lr;
	_ =	strace $0xD0000000  }
0x3: {  	_ = 	snop  }
0x4: {  	_ = 	snop  }
0x5: {  	_ = 	snop  }
0x6: {  	_ = 	snop  }
0x7: {  	_ = 	snop  }
__scs_overlays_trampoline_lowered:
0x8: {  	[smem:$0x3FAF] =	sst s0  }
0x9: {  	[smem:$0x3FB0] =	sst s1  }
0xa: {  	[smem:$0x3FB1] =	sst s2  }
0xb: {  	[smem:$0x3FB2] =	sst s3  }
0xc: {  	[smem:$0x3FB3] =	sst s4  }
0xd: {  	[smem:$0x3FB4] =	sst s5  }
0xe: {  	[smem:$0x3FB5] =	sst s6  }
0xf: {  	[smem:$0x3FB6] =	sst s7  }
0x10: {  	[smem:$0x3FB7] =	sst s8  }
0x11: {  	[smem:$0x3FB8] =	sst s9;
	s0 =	simm.s32 @!p0 $0x0  }
0x12: {  	s1 =	sld [smem:$0x3F9E];
	s0 =	simm.s32 @p0 $0x1  }
0x13: {  	[smem:$0x3FB9] =	sst s0;
	s0 =	simm.s32 @!p1 $0x0  }
0x14: {  	s2 =	sld [smem:$0x3F9D];
	s0 =	simm.s32 @p1 $0x1  }
0x15: {  	[smem:$0x3FBA] =	sst s0;
	s0 =	simm.s32 @!p2 $0x0  }
0x16: {  	s3 =	sld [smem:$0x3FDB];
	s0 =	simm.s32 @p2 $0x1  }
0x17: {  	s4 =	simm.s32 $0x1BF5;
	[smem:$0x3FBC] =	sst s0  }
0x18: {  	s0 =	sld [smem:$0x3F9F];
	_ =	swait.ge [sflag:s4], $0x0  }
0x19: {  	s7 =	sld [smem:$0x3FA0]  }
0x1a: {  	s8 =	sadd.s32 $0xFFFFE003, lr  }
0x1b: {  	s9 =	sadd.s32 $0xFFFFFEF7, lr;
	s5 =	simm.s32 $0xFFFFFFFF;
	p2 =	slt.u32 s8, $0xFFFFF086  }
0x1c: {  	p1 =	slt.u32 s9, $0xF7A;
	s5 =	simm.s32 @!p2 $0x0  }
0x1d: {  	s5 =	simm.s32 @p1 $0x1;
	p0 =	seq.s32 s7, s2  }
0x1e: {  	s7 =	smul.u32 @!p0 $0xF7A, s2;
	p2 =	seq.s32 @!p0 s5, $0x0  }
0x1f: {  	s9 =	smul.u32 $0xF7A, s1;
	s8 =	simm.s32 @!p0 $0x1BF5;
	p2 =	por !p2, p0  }
0x20: {  	[sflag:s8] =	ssyncset.s32 @!p0 $0xFFFFF086;
	s6 =	sadd.s32 @!p0 s3, s7;
	s7 =	simm.s32 @!p0 $0x108  }
0x21: {  	s3 =	sadd.s32 s3, s9;
	s6 =	sadd.s32 @!p0 $0x88, s6;
	s7 =	simm.s32 @p2 $0x1082  }
0x22: {  	[simem:s7], [sflag:s8] =	dma.local @!p0 [hbm:s6], $0xF7A  }
0x23: {  	s9 =	sor.u32 $0xD0000000, s2;
	s6 =	simm.s32 $0x108;
	_ =	swait.ge @!p0 [sflag:s8], $0x0  }
0x24: {  	s3 =	sadd.s32 $0x88, s3;
	s6 =	simm.s32 @!p1 $0x1082;
	[sflag:s4] =	ssyncset.s32 $0xFFFFF086  }
0x25: {  	[simem:s6], [sflag:s4] =	dma.local [hbm:s3], $0xF7A  }
0x26: {  	[smem:$0x3FA0] =	sst s1;
	(tag) =	ssettag s2;
	_ =	strace s9  }
0x27: {  	s1 =	sld [smem:$0x3FB0]  }
0x28: {  	s2 =	sld [smem:$0x3FB1]  }
0x29: {  	s4 =	sld [smem:$0x3FB3]  }
0x2a: {  	p0 =	seq.s32 s5, $0x0;
	s5 =	sld [smem:$0x3FB4]  }
0x2b: {  	s6 =	sld [smem:$0x3FB5]  }
0x2c: {  	s7 =	sld [smem:$0x3FB6]  }
0x2d: {  	s3 =	simm.s32 $0x108;
	s8 =	sld [smem:$0x3FB7]  }
0x2e: {  	s3 =	simm.s32 @!p0 $0x1082;
	s9 =	sld [smem:$0x3FB8]  }
0x2f: {  	lr =	sadd.s32 s0, s3;
	s0 =	sld [smem:$0x3FAF]  }
0x30: {  	s3 =	sld [smem:$0x3FB2]  }
0x31: {  	[smem:$0x3FBB] =	sst s10  }
0x32: {  	s10 =	sld [smem:$0x3FB9];
	_ =	sdelay $0x3  }
0x33: {  	p0 =	seq.s32 s10, $0x1;
	s10 =	sld [smem:$0x3FBB];
	_ =	sdelay $0x3  }
0x34: {  	[smem:$0x3FBB] =	sst s10  }
0x35: {  	s10 =	sld [smem:$0x3FBA];
	_ =	sdelay $0x3  }
0x36: {  	p1 =	seq.s32 s10, $0x1;
	s10 =	sld [smem:$0x3FBB];
	_ =	sdelay $0x3  }
0x37: {  	[smem:$0x3FBB] =	sst s10  }
0x38: {  	s10 =	sld [smem:$0x3FBC]  }
0x39: {  	_ = 	snop;
	(pc) =	sbr.ind lr, $3  }
0x3a: {  	_ = 	snop  }
0x3b: {  	_ = 	snop  }
0x3c: {  	p2 =	seq.s32 s10, $0x1;
	s10 =	sld [smem:$0x3FBB]  }
0x3d: {  	_ =	shalt  }
0x3e: {  	_ =	shalt  }
0x3f: {  	_ =	shalt  }
0x40: {  	_ =	shalt  }
0x41: {  	_ =	shalt  }
0x42: {  	_ =	shalt  }
0x43: {  	_ =	shalt  }
0x44: {  	_ =	shalt  }
0x45: {  	_ =	shalt  }
0x46: {  	_ =	shalt  }
0x47: {  	_ =	shalt  }
0x48: {  	_ =	shalt  }
0x49: {  	_ =	shalt  }
0x4a: {  	_ =	shalt  }
0x4b: {  	_ =	shalt  }
0x4c: {  	_ =	shalt  }
0x4d: {  	_ =	shalt  }
0x4e: {  	_ =	shalt  }
0x4f: {  	_ =	shalt  }
0x50: {  	_ =	shalt  }
0x51: {  	_ =	shalt  }
0x52: {  	_ =	shalt  }
0x53: {  	_ =	shalt  }
0x54: {  	_ =	shalt  }
0x55: {  	_ =	shalt  }
0x56: {  	_ =	shalt  }
0x57: {  	_ =	shalt  }
0x58: {  	_ =	shalt  }
0x59: {  	_ =	shalt  }
0x5a: {  	_ =	shalt  }
0x5b: {  	_ =	shalt  }
0x5c: {  	_ =	shalt  }
0x5d: {  	_ =	shalt  }
0x5e: {  	_ =	shalt  }
0x5f: {  	_ =	shalt  }
0x60: {  	_ =	shalt  }
0x61: {  	_ =	shalt  }
0x62: {  	_ =	shalt  }
0x63: {  	_ =	shalt  }
0x64: {  	_ =	shalt  }
0x65: {  	_ =	shalt  }
0x66: {  	_ =	shalt  }
0x67: {  	_ =	shalt  }
0x68: {  	_ =	shalt  }
0x69: {  	_ =	shalt  }
0x6a: {  	_ =	shalt  }
0x6b: {  	_ =	shalt  }
0x6c: {  	_ =	shalt  }
0x6d: {  	_ =	shalt  }
0x6e: {  	_ =	shalt  }
0x6f: {  	_ =	shalt  }
0x70: {  	_ =	shalt  }
0x71: {  	_ =	shalt  }
0x72: {  	_ =	shalt  }
0x73: {  	_ =	shalt  }
0x74: {  	_ =	shalt  }
0x75: {  	_ =	shalt  }
0x76: {  	_ =	shalt  }
0x77: {  	_ =	shalt  }
0x78: {  	_ =	shalt  }
0x79: {  	_ =	shalt  }
0x7a: {  	_ =	shalt  }
0x7b: {  	_ =	shalt  }
0x7c: {  	_ =	shalt  }
0x7d: {  	_ =	shalt  }
0x7e: {  	_ =	shalt  }
0x7f: {  	_ =	shalt  }
0x80: {  	_ =	shalt  }
0x81: {  	_ =	shalt  }
0x82: {  	_ =	shalt  }
0x83: {  	_ =	shalt  }
0x84: {  	_ =	shalt  }
0x85: {  	_ =	shalt  }
0x86: {  	_ =	shalt  }
0x87: {  	_ =	shalt  }
.Lfunc_end0:
.L_simem_size_0:
called_computation_lowered:
.L_overlay_start_0:
0x88: {  	s2 =	sld [smem:$0x3FD9]  }
0x89: {  	s3 =	sld [smem:$0x3FFE];
	_ =	sdelay $0x1  }
0x8a: {  	s1 =	srdreg.scid  }
0x8b: {  	s0 =	sand.u32 $0x1, s1  }
0x8c: {  	s16 =	sshll.u32 s0, $0xA;
	s2 =	sadd.s32 s3, s2  }
0x8d: {  	s2 =	sadd.s32 s2, s16  }
0x8e: {  	[smem:$0x3FC7] =	sst s2  }
0x8f: {  	_ = 	snop  }
0x90: {  	(tm) =	ssettm $0x1  }
0x91: {  	s17 =	sld [smem:$0x3FFB];
	_ =	sdelay $0x3  }
0x92: {  	_ =	strace s17  }
0x93: {  	s2 =	sld [smem:$0x3FFC];
	_ =	sdelay $0x3  }
0x94: {  	_ =	strace s2  }
0x95: {  	s2 =	sld [smem:$0x3FFD];
	_ =	sdelay $0x3  }
0x96: {  	_ =	strace s2  }
0x97: {  	_ =	strace $0x8FFFFFFF  }
0x98: {  	s18 =	sld [smem:$0x3FDB];
	_ =	sdelay $0x1  }
0x99: {  	s19 =	simm.s32 $_scs_section_size  }
0x9a: {  	s4 =	simm.s32 $_size__tile_overlayer_lowered;
	s5 =	simm.s32 $_tile_overlayer_lowered  }
0x9b: {  	s22 =	simm.s32 $0x1BFF;
	s21 =	sshll.u32 s5, $0x1;
	s2 =	sadd.s32 s19, s18  }
0x9c: {  	s6 =	simm.s32 $0x0;
	s20 =	sshll.u32 s4, $0x1;
	s4 =	sadd.s32 s21, s2  }
0x9d: {  	[timem:s6], [sflag:s22] =	dma.local [hbm:s4], s20  }
0x9e: {  	_ =	swait.ge [sflag:s22], s20  }
0x9f: {  	s3 =	ssub.s32 $0x0, s20;
	[sflag:s22] =	ssyncset.done $0x0  }
0xa0: {  	[sflag:s22] =	ssyncadd.s32 s3;
	_ =	sdelay $0x1  }
0xa1: {  	s23 =	simm.s32 $0x1B8B  }
0xa2: {  	_ =	swait.ge [sflag:s23], $0x1  }
0xa3: {  	[sflag:s23] =	ssyncset.done $0x0  }
0xa4: {  	s25 =	simm.s32 $0x1B8E;
	s24 =	sld [smem:$0x3FFE];
	[sflag:s23] =	ssyncadd.s32 $0xFFFFFFFF  }
0xa5: {  	s26 =	simm.s32 $execute0_lowered;
	[smem:$0x3FD2] =	sst s25  }
0xa6: {  	s4 =	sshll.u32 s26, $0x1;
	_ =	strace $0x80000046;
	[dreg:$0x1] =	wrdreg $0xFFFFFFFF  }
0xa7: {  	s28 =	simm.s32 $_size_execute0_lowered;
	s2 =	sadd.s32 s2, s4;
	[dreg:$0x0] =	wrdreg $0x0  }
0xa8: {  	s4 =	sshll.u32 s28, $0x1;
	[dreg:$0x2] =	wrdreg s2  }
0xa9: {  	[dreg:$0x3] =	wrdreg s4  }
0xaa: {  	[dreg:$0x4] =	wrdreg $0xC0  }
0xab: {  	_ =	task [dreg:s6], $0x5FFFF  }
0xac: {  	[dreg:$0x1] =	wrdreg $0xFFFFFFFF  }
0xad: {  	[dreg:$0x0] =	wrdreg $0x60  }
0xae: {  	[dreg:$0x2] =	wrdreg s24  }
0xaf: {  	[dreg:$0x3] =	wrdreg $0x9  }
0xb0: {  	_ =	task.clear_ibuf [dreg:s6], $0x4FFFF;
	_ =	strace $0x90000046  }
0xb1: {  	s29 =	simm.s32 $0x9;
	_ =	strace $0x80000048  }
0xb2: {  	_ =	swait.ge [sflag:s29], $0x1  }
0xb3: {  	[sflag:s29] =	ssyncadd.s32 $0xFFFFFFFF  }
0xb4: {  	_ =	strace $0x90000048  }
0xb5: {  	_ =	sfence  }
0xb6: {  	s30 =	sld [smem:$0x0];
	_ =	sdelay $0x2  }
0xb7: {  	s31 =	sshll.u32 s1, $0xD;
	s1 =	sshrl.u32 s1, $0x2  }
0xb8: {  	s3 =	sand.u32 $0x4000, s31;
	s1 =	sadd.s32 s1, s30  }
0xb9: {  	s0 =	sor.u32 s3, s0;
	s1 =	sshll.u32 s1, $0x11  }
0xba: {  	s0 =	sor.u32 s1, s0  }
0xbb: {  	s0 =	sadd.s32 $0x8F2B, s0  }
0xbc: {  	[sflag:s0] =	ssyncadd.remote.s32 $0x1  }
0xbd: {  	_ =	sfence.sel $0xFFFF  }
0xbe: {  	[dreg:$0x0] =	wrdreg $0xFFFFFFFF;
	(pc) =	sbr.abs _section_cstart, $3  }
0xbf: {  	[dreg:$0x1] =	wrdreg $0xFFFFFFFF  }
0xc0: {  	_ =	task.clear_ibuf [dreg:s6], $0x2FFFF;
	_ =	strace $0x9FFFFFFF  }
0xc1: {  	(tm) =	ssettm $0x7FFFFFFF  }
tec
execute0_lowered:
.L_overlay_start_1:
0x0: {  	(tag) =	ssettag $0x1  }
0x1: {  	v0 =	vimm.f32 $1.500000000e+01;
	vm0 =	vcmask $0x300  }
0x2: {  	vm14 =	vcmask $0x704;
	v0 =	vsel vm0, $0x0, v0  }
0x3: {  	vm15 =	vcmask $0xB08;
	v0 =	vsel vm14, $0x3F800000, v0  }
0x4: {  	vm4 =	vcmask $0xF0C;
	v0 =	vsel vm15, $0x40000000, v0  }
0x5: {  	vm5 =	vcmask $0x1310;
	v0 =	vsel vm4, $0x40400000, v0  }
0x6: {  	s3 =	rddreg [dreg:$0x0];
	vm6 =	vcmask $0x1714;
	v0 =	vsel vm5, $0x40800000, v0  }
0x7: {  	s0 =	rddreg [dreg:$0x1];
	s1 =	stileid.u32;
	vm7 =	vcmask $0x1B18;
	v0 =	vsel vm6, $0x40A00000, v0  }
0x8: {  	s4 =	srdreg.scid;
	s2 =	simm.s32 $0x0;
	vm8 =	vcmask $0x1F1C;
	s10 =	simm.s32 $0x2000;
	v0 =	vsel vm7, $0x40C00000, v0  }
0x9: {  	vm9 =	vcmask $0x2320;
	s11 =	simm.s32 $0x4000;
	s12 =	simm.s32 $0x6000;
	s13 =	simm.s32 $0x0;
	v0 =	vsel vm8, $0x40E00000, v0  }
0xa: {  	vm10 =	vcmask $0x2724;
	s4 =	sand.u32 $0x1, s4;
	s5 =	sshll.u32 s1, $0x1;
	[smem:$0x7FF] =	sst s2;
	v0 =	vsel vm9, $0x41000000, v0  }
0xb: {  	vm11 =	vcmask $0x2B28;
	s6 =	sshll.u32 s1, $0x7;
	s5 =	sor.u32 s4, s5;
	s4 =	ssub.s32 $0x2, s4;
	v0 =	vsel vm10, $0x41100000, v0  }
0xc: {  	vm12 =	vcmask $0x2F2C;
	_ =	strace $0x80000047;
	s6 =	sand.u32 $0x400, s6;
	s7 =	smul.u32 $0x38, s5;
	v0 =	vsel vm11, $0x41200000, v0  }
0xd: {  	vm13 =	vcmask $0x3330;
	s8 =	sshrl.u32 s4, $0x1;
	s6 =	sadd.s32 s6, s3;
	s9 =	sand.u32 $0xF, s5;
	v0 =	vsel vm12, $0x41300000, v0  }
0xe: {  	vm14 =	vcmask $0x3734;
	s8 =	ssub.s32 s4, s8;
	s4 =	sadd.s32 $0xA00, s6;
	s5 =	sadd.s32 $0x200, s6;
	v0 =	vsel vm13, $0x41400000, v0  }
0xf: {  	vm15 =	vcmask $0x3B38;
	s7 =	sadd.s32 s7, s3;
	s3 =	sadd.s32 $0x1200, s6;
	s6 =	smul.u32 $0x1C0, s9;
	v0 =	vsel vm14, $0x41500000, v0  }
0x10: {  	s8 =	smax.u32 s8, $0x1;
	s9 =	simm.s32 $0x1;
	s7 =	sadd.s32 $0x1A00, s7;
	v0 =	vsel vm15, $0x41600000, v0  }
.LBB2_1:
0x11: {  	[tilespmem:s2], [sflag:$0x1] =	stream.linear.gather [hbm4b:s3+s2], $0x2000, $0x38;
	[tilespmem:$0x6200] =	vst v63  }
0x12: {  	_ =	swait.ge [sflag:s9], $0x2000  }
0x13: {  	[sflag:s9] =	ssyncset.done $0x0  }
0x14: {  	[sflag:s9] =	ssyncadd.s32 $0xFFFFE000  }
0x15: {  	[tilespmem:s10], [sflag:$0x1] =	stream.linear.gather [hbm4b:s4+s2], $0x2000, $0x38;
	[tilespmem:$0x6200] =	vst v63  }
0x16: {  	_ =	swait.ge [sflag:s9], $0x2000  }
0x17: {  	[sflag:s9] =	ssyncset.done $0x0  }
0x18: {  	[sflag:s9] =	ssyncadd.s32 $0xFFFFE000  }
0x19: {  	[tilespmem:s11], [sflag:$0x1] =	stream.linear.gather [hbm4b:s5+s2], $0x2000, $0x38;
	[tilespmem:$0x6200] =	vst v63  }
0x1a: {  	_ =	swait.ge [sflag:s9], $0x2000  }
0x1b: {  	[sflag:s9] =	ssyncset.done $0x0  }
0x1c: {  	s14 =	simm.s32 $0x0;
	[sflag:s9] =	ssyncadd.s32 $0xFFFFE000  }
.LBB2_2:
0x1d: {  	s15 =	sshll.u32 s14, $0x4  }
0x1e: {  	s16 =	sadd.s32 s6, s15  }
0x1f: {  	s17 =	sshrl.u32 s16, $0x8;
	s16 =	sand.u32 $0xF0, s16  }
0x20: {  	s16 =	sadd.s32 $0xFFFFFF80, s16  }
0x21: {  	s16 =	scvt.s32.f32 s16  }
0x22: {  	s17 =	scvt.s32.f32 s17  }
0x23: {  	v1 =	vadd.f32 s16, v0  }
0x24: {  	v3 =	vimm.f32 $1.000000020e+30;
	s17 =	smul.f32 $2.454369330e-02, s17  }
0x25: {  	v6 =	vimm.f32 $1.000000020e+30;
	v7 =	vimm.f32 $1.000000020e+30;
	v1 =	vmul.f32 $2.454369330e-02, v1  }
0x26: {  	v8 =	vimm.f32 $1.000000020e+30;
	v9 =	vimm.f32 $1.000000020e+30;
	s16 =	simm.s32 $0x0;
	v2 =	vmov s17  }
.LBB2_3:
0x27: {  	s17 =	sshra.s32 s16, $0x2  }
0x28: {  	v5 =	vld [tilespmem:s17+$0x2000]  }
0x29: {  	v4 =	vld [tilespmem:s17+$0x0];
	_ =	sdelay $0x3  }
0x2a: {  	v10 =	vbroadcast v5, $0x0  }
0x2b: {  	v12 =	vbroadcast v4, $0x1;
	v13 =	vbroadcast v5, $0x1  }
0x2c: {  	v14 =	vbroadcast v5, $0x2;
	v17 =	vbroadcast v4, $0x3  }
0x2d: {  	v18 =	vbroadcast v5, $0x3;
	v21 =	vbroadcast v4, $0x4  }
0x2e: {  	v22 =	vbroadcast v5, $0x4;
	v25 =	vbroadcast v5, $0x5  }
0x2f: {  	v30 =	vbroadcast v5, $0x6;
	v32 =	vbroadcast v4, $0x7  }
0x30: {  	v11 =	vsub.f32 v2, v4;
	v33 =	vbroadcast v5, $0x7;
	v36 =	vbroadcast v5, $0x8  }
0x31: {  	v40 =	vbroadcast v5, $0x9;
	v42 =	vbroadcast v4, $0xA  }
0x32: {  	v43 =	vbroadcast v5, $0xA;
	v10 =	vsub.f32 v1, v10;
	v11 =	vmul.f32 v11, v11  }
0x33: {  	v46 =	vbroadcast v5, $0xB;
	v50 =	vbroadcast v4, $0xC  }
0x34: {  	v11 =	vbroadcast v11, $0x0;
	v10 =	vmul.f32 v10, v10  }
0x35: {  	v51 =	vbroadcast v5, $0xC;
	v56 =	vbroadcast v4, $0xD;
	v62 =	vsub.f32 v1, v13  }
0x36: {  	v57 =	vbroadcast v5, $0xD;
	v10 =	vadd.f32 v10, v11;
	v11 =	vsub.f32 v2, v12  }
0x37: {  	v58 =	vbroadcast v5, $0xE;
	v12 =	vmul.f32 v62, v62  }
0x38: {  	v63 =	vmin.f32 v9, v10;
	v9 =	vmax.f32 v9, v10;
	v11 =	vmul.f32 v11, v11  }
0x39: {  	v10 =	vmin.f32 v8, v9;
	v8 =	vmax.f32 v8, v9;
	v9 =	vbroadcast v4, $0x2  }
0x3a: {  	v5 =	vbroadcast v5, $0xF;
	v16 =	vsub.f32 v1, v14;
	v15 =	vmin.f32 v7, v8  }
0x3b: {  	v7 =	vmax.f32 v7, v8;
	v8 =	vadd.f32 v12, v11;
	v9 =	vsub.f32 v2, v9  }
0x3c: {  	v13 =	vsub.f32 v1, v18;
	v12 =	vmul.f32 v16, v16;
	v11 =	vmax.f32 v6, v7  }
0x3d: {  	v6 =	vmin.f32 v6, v7;
	v7 =	vmax.f32 v63, v8;
	v9 =	vmul.f32 v9, v9  }
0x3e: {  	v23 =	vsub.f32 v2, v21;
	v3 =	vmin.f32 v3, v11;
	v11 =	vmax.f32 v10, v7  }
0x3f: {  	v7 =	vmin.f32 v10, v7;
	v10 =	vmax.f32 v15, v11;
	v9 =	vadd.f32 v12, v9  }
0x40: {  	v19 =	vmin.f32 v6, v10;
	v6 =	vmax.f32 v6, v10;
	v12 =	vsub.f32 v2, v17  }
0x41: {  	v24 =	vsub.f32 v1, v22;
	v8 =	vmin.f32 v63, v8;
	v3 =	vmin.f32 v3, v6  }
0x42: {  	v10 =	vmax.f32 v8, v9;
	v6 =	vmin.f32 v8, v9;
	v9 =	vmul.f32 v12, v12  }
0x43: {  	v8 =	vmin.f32 v7, v10;
	v7 =	vmax.f32 v7, v10;
	v10 =	vmul.f32 v13, v13  }
0x44: {  	v28 =	vsub.f32 v1, v25;
	v35 =	vsub.f32 v1, v33;
	v11 =	vmin.f32 v15, v11  }
0x45: {  	v12 =	vmul.f32 v23, v23;
	v20 =	vmax.f32 v11, v7;
	v9 =	vadd.f32 v10, v9  }
0x46: {  	v13 =	vmul.f32 v24, v24;
	v7 =	vmin.f32 v11, v7;
	v10 =	vmax.f32 v19, v20  }
0x47: {  	v3 =	vmin.f32 v3, v10;
	v10 =	vmin.f32 v6, v9;
	v6 =	vmax.f32 v6, v9  }
0x48: {  	v9 =	vmin.f32 v8, v6;
	v6 =	vmax.f32 v8, v6;
	v8 =	vbroadcast v4, $0x5  }
0x49: {  	v11 =	vmin.f32 v19, v20;
	v26 =	vmin.f32 v7, v6;
	v6 =	vmax.f32 v7, v6  }
0x4a: {  	v7 =	vadd.f32 v13, v12;
	v27 =	vmax.f32 v11, v6;
	v8 =	vsub.f32 v2, v8  }
0x4b: {  	v13 =	vmul.f32 v28, v28;
	v6 =	vmin.f32 v11, v6;
	v3 =	vmin.f32 v3, v27  }
0x4c: {  	v11 =	vmax.f32 v10, v7;
	v7 =	vmin.f32 v10, v7;
	v8 =	vmul.f32 v8, v8  }
0x4d: {  	v29 =	vmax.f32 v9, v11;
	v9 =	vmin.f32 v9, v11;
	v11 =	vbroadcast v4, $0x6  }
0x4e: {  	v10 =	vmax.f32 v26, v29;
	v12 =	vmin.f32 v26, v29;
	v8 =	vadd.f32 v13, v8  }
0x4f: {  	v31 =	vmin.f32 v6, v10;
	v6 =	vmax.f32 v6, v10;
	v11 =	vsub.f32 v2, v11  }
0x50: {  	v13 =	vsub.f32 v1, v30;
	v3 =	vmin.f32 v3, v6;
	v10 =	vmax.f32 v7, v8  }
0x51: {  	v6 =	vmin.f32 v7, v8;
	v7 =	vmin.f32 v9, v10;
	v8 =	vmax.f32 v9, v10  }
0x52: {  	v9 =	vmul.f32 v11, v11;
	v10 =	vmul.f32 v13, v13;
	v11 =	vmax.f32 v12, v8  }
0x53: {  	v38 =	vsub.f32 v1, v36;
	v45 =	vsub.f32 v1, v43;
	v34 =	vmin.f32 v31, v11  }
0x54: {  	v9 =	vadd.f32 v10, v9;
	v10 =	vmax.f32 v31, v11;
	v11 =	vsub.f32 v2, v32  }
0x55: {  	v13 =	vmul.f32 v35, v35;
	v8 =	vmin.f32 v12, v8;
	v3 =	vmin.f32 v3, v10  }
0x56: {  	v10 =	vmin.f32 v6, v9;
	v6 =	vmax.f32 v6, v9;
	v11 =	vmul.f32 v11, v11  }
0x57: {  	v9 =	vmin.f32 v7, v6;
	v6 =	vmax.f32 v7, v6;
	v7 =	vbroadcast v4, $0x8  }
0x58: {  	v48 =	vsub.f32 v1, v46;
	v37 =	vmin.f32 v8, v6;
	v6 =	vmax.f32 v8, v6  }
0x59: {  	v8 =	vadd.f32 v13, v11;
	v11 =	vmax.f32 v34, v6;
	v7 =	vsub.f32 v2, v7  }
0x5a: {  	v13 =	vmul.f32 v38, v38;
	v6 =	vmin.f32 v34, v6;
	v3 =	vmin.f32 v3, v11  }
0x5b: {  	v11 =	vmax.f32 v10, v8;
	v8 =	vmin.f32 v10, v8;
	v7 =	vmul.f32 v7, v7  }
0x5c: {  	v39 =	vmax.f32 v9, v11;
	v9 =	vmin.f32 v9, v11;
	v11 =	vbroadcast v4, $0x9  }
0x5d: {  	v10 =	vmax.f32 v37, v39;
	v12 =	vmin.f32 v37, v39;
	v7 =	vadd.f32 v13, v7  }
0x5e: {  	v41 =	vmin.f32 v6, v10;
	v6 =	vmax.f32 v6, v10;
	v11 =	vsub.f32 v2, v11  }
0x5f: {  	v13 =	vsub.f32 v1, v40;
	v3 =	vmin.f32 v3, v6;
	v10 =	vmax.f32 v8, v7  }
0x60: {  	v6 =	vmin.f32 v8, v7;
	v7 =	vmin.f32 v9, v10;
	v8 =	vmax.f32 v9, v10  }
0x61: {  	v9 =	vmul.f32 v11, v11;
	v10 =	vmul.f32 v13, v13;
	v11 =	vmax.f32 v12, v8  }
0x62: {  	v52 =	vsub.f32 v2, v50;
	v53 =	vsub.f32 v1, v51;
	v44 =	vmin.f32 v41, v11  }
0x63: {  	v9 =	vadd.f32 v10, v9;
	v10 =	vmax.f32 v41, v11;
	v11 =	vsub.f32 v2, v42  }
0x64: {  	v13 =	vmul.f32 v45, v45;
	v8 =	vmin.f32 v12, v8;
	v3 =	vmin.f32 v3, v10  }
0x65: {  	v10 =	vmin.f32 v6, v9;
	v6 =	vmax.f32 v6, v9;
	v11 =	vmul.f32 v11, v11  }
0x66: {  	v9 =	vmin.f32 v7, v6;
	v6 =	vmax.f32 v7, v6;
	v7 =	vbroadcast v4, $0xB  }
0x67: {  	v47 =	vmin.f32 v8, v6;
	v6 =	vmax.f32 v8, v6;
	v8 =	vadd.f32 v13, v11  }
0x68: {  	v5 =	vsub.f32 v1, v5;
	v11 =	vmax.f32 v44, v6;
	v7 =	vsub.f32 v2, v7  }
0x69: {  	v12 =	vmul.f32 v52, v52;
	v3 =	vmin.f32 v3, v11;
	v11 =	vmin.f32 v10, v8  }
0x6a: {  	v8 =	vmax.f32 v10, v8;
	v10 =	vmul.f32 v48, v48;
	v7 =	vmul.f32 v7, v7  }
0x6b: {  	v13 =	vmul.f32 v53, v53;
	v6 =	vmin.f32 v44, v6;
	v49 =	vmax.f32 v9, v8  }
0x6c: {  	v8 =	vmin.f32 v9, v8;
	v7 =	vadd.f32 v10, v7;
	v10 =	vmax.f32 v47, v49  }
0x6d: {  	v9 =	vmin.f32 v47, v49;
	v54 =	vmin.f32 v6, v10;
	v6 =	vmax.f32 v6, v10  }
0x6e: {  	v10 =	vmax.f32 v11, v7;
	v3 =	vmin.f32 v3, v6;
	v6 =	vmin.f32 v11, v7  }
0x6f: {  	v11 =	vadd.f32 v13, v12;
	v12 =	vsub.f32 v2, v56;
	v55 =	vmax.f32 v8, v10  }
0x70: {  	v13 =	vsub.f32 v1, v57;
	v8 =	vmin.f32 v8, v10;
	v7 =	vmax.f32 v9, v55  }
0x71: {  	v9 =	vmin.f32 v9, v55;
	v12 =	vmul.f32 v12, v12;
	v10 =	vmax.f32 v54, v7  }
0x72: {  	v7 =	vmin.f32 v54, v7;
	v3 =	vmin.f32 v3, v10;
	v10 =	vmax.f32 v6, v11  }
0x73: {  	v6 =	vmin.f32 v6, v11;
	v11 =	vmin.f32 v8, v10;
	v8 =	vmax.f32 v8, v10  }
0x74: {  	v10 =	vmin.f32 v9, v8;
	v8 =	vmax.f32 v9, v8;
	v9 =	vbroadcast v4, $0xE  }
0x75: {  	v13 =	vmul.f32 v13, v13;
	v4 =	vbroadcast v4, $0xF;
	v59 =	vmin.f32 v7, v8  }
0x76: {  	v7 =	vmax.f32 v7, v8;
	v8 =	vsub.f32 v2, v9;
	v9 =	vsub.f32 v1, v58  }
0x77: {  	v5 =	vmul.f32 v5, v5;
	v12 =	vadd.f32 v13, v12;
	v4 =	vsub.f32 v2, v4  }
0x78: {  	v3 =	vmin.f32 v3, v7;
	v7 =	vmul.f32 v8, v8;
	v8 =	vmul.f32 v9, v9  }
0x79: {  	v9 =	vmax.f32 v6, v12;
	v6 =	vmin.f32 v6, v12;
	v4 =	vmul.f32 v4, v4  }
0x7a: {  	v60 =	vmax.f32 v11, v9;
	v9 =	vmin.f32 v11, v9;
	v7 =	vadd.f32 v8, v7  }
0x7b: {  	v8 =	vmax.f32 v10, v60;
	v10 =	vmin.f32 v10, v60;
	v4 =	vadd.f32 v5, v4  }
0x7c: {  	v11 =	vmin.f32 v59, v8;
	v8 =	vmax.f32 v59, v8;
	v61 =	vmax.f32 v6, v7  }
0x7d: {  	p0 =	sne.s32 s16, $0x7FC0;
	v3 =	vmin.f32 v3, v8;
	v5 =	vmin.f32 v6, v7;
	v6 =	vmax.f32 v9, v61  }
.Ltmp0:
0x7e: {  	v7 =	vmin.f32 v9, v61;
	v62 =	vmax.f32 v5, v4;
	v8 =	vmax.f32 v10, v6;
	(pc) =	sbr.rel @p0 .LBB2_3-.Ltmp0, $4  }
0x7f: {  	v6 =	vmin.f32 v10, v6;
	v10 =	vmax.f32 v7, v62;
	v9 =	vmax.f32 v11, v8  }
0x80: {  	v11 =	vmin.f32 v11, v8;
	v63 =	vmax.f32 v6, v10;
	v8 =	vmin.f32 v7, v62  }
0x81: {  	v3 =	vmin.f32 v3, v9;
	v9 =	vmin.f32 v5, v4;
	v4 =	vmax.f32 v11, v63  }
0x82: {  	s16 =	sadd.s32 $0x40, s16;
	v7 =	vmin.f32 v6, v10;
	v6 =	vmin.f32 v11, v63;
	v3 =	vmin.f32 v3, v4  }
0x83: {  	s16 =	simm.s32 $0x0  }
0x84: {  	v4 =	vld [tilespmem:s16+$0x4000];
	_ =	sdelay $0x2  }
0x85: {  	v18 =	vld [tilespmem:s16+$0x0]  }
0x86: {  	v26 =	vld [tilespmem:s16+$0x2000]  }
0x87: {  	v5 =	vbroadcast v4, $0xB;
	v7 =	vbroadcast v4, $0x9  }
0x88: {  	v6 =	vbroadcast v4, $0xA;
	v8 =	vbroadcast v4, $0x8  }
0x89: {  	v10 =	vbroadcast v4, $0x6;
	v9 =	vbroadcast v4, $0x7  }
0x8a: {  	v11 =	vbroadcast v4, $0x5;
	v19 =	vbroadcast v18, $0xF  }
0x8b: {  	v12 =	vbroadcast v4, $0x4;
	v20 =	vbroadcast v26, $0xF  }
0x8c: {  	v22 =	vbroadcast v18, $0xE;
	v23 =	vbroadcast v26, $0xE  }
0x8d: {  	v13 =	vbroadcast v4, $0x3;
	v24 =	vbroadcast v18, $0xD  }
0x8e: {  	v14 =	vbroadcast v4, $0x2;
	v25 =	vbroadcast v26, $0xD  }
0x8f: {  	v27 =	vbroadcast v18, $0xC;
	v28 =	vbroadcast v26, $0xC  }
0x90: {  	v16 =	vbroadcast v4, $0x1;
	v29 =	vbroadcast v18, $0xB  }
0x91: {  	v17 =	vbroadcast v4, $0x0;
	v30 =	vbroadcast v26, $0xB  }
0x92: {  	v31 =	vbroadcast v18, $0xA;
	v32 =	vbroadcast v26, $0xA  }
0x93: {  	v33 =	vbroadcast v18, $0x9;
	v34 =	vbroadcast v26, $0x9  }
0x94: {  	v35 =	vbroadcast v18, $0x8;
	v36 =	vbroadcast v26, $0x8  }
0x95: {  	v37 =	vbroadcast v18, $0x7;
	v38 =	vbroadcast v26, $0x7  }
0x96: {  	v15 =	vimm.f32 $0.0e+00;
	v46 =	vbroadcast v18, $0x6;
	v48 =	vbroadcast v26, $0x6  }
0x97: {  	v49 =	vbroadcast v18, $0x5;
	v50 =	vbroadcast v26, $0x5;
	v39 =	vsub.f32 v2, v18  }
0x98: {  	v51 =	vbroadcast v18, $0x4;
	v21 =	vbroadcast v26, $0x4;
	v47 =	vsub.f32 v2, v19  }
0x99: {  	v52 =	vsub.f32 v2, v22;
	v53 =	vsub.f32 v1, v20;
	v22 =	vbroadcast v18, $0x3  }
0x9a: {  	v54 =	vsub.f32 v2, v24;
	v55 =	vsub.f32 v1, v23;
	v23 =	vbroadcast v26, $0x3  }
0x9b: {  	v56 =	vsub.f32 v2, v27;
	v57 =	vsub.f32 v1, v25;
	v24 =	vbroadcast v18, $0x2  }
0x9c: {  	v58 =	vsub.f32 v2, v29;
	v59 =	vsub.f32 v1, v28;
	v25 =	vbroadcast v26, $0x2  }
0x9d: {  	v60 =	vsub.f32 v2, v31;
	v61 =	vsub.f32 v1, v30;
	v19 =	vbroadcast v18, $0x1  }
0x9e: {  	v40 =	vsub.f32 v2, v33;
	v41 =	vsub.f32 v1, v32;
	v20 =	vbroadcast v26, $0x1  }
0x9f: {  	v42 =	vsub.f32 v2, v35;
	v43 =	vsub.f32 v1, v34;
	v29 =	vbroadcast v26, $0x0  }
0xa0: {  	v44 =	vsub.f32 v2, v37;
	v45 =	vsub.f32 v1, v36;
	v27 =	vmul.f32 v39, v39  }
0xa1: {  	v39 =	vsub.f32 v1, v38;
	v49 =	vsub.f32 v2, v49;
	v26 =	vmul.f32 v47, v47  }
0xa2: {  	v18 =	vimm.f32 $0.0e+00;
	v30 =	vmul.f32 v52, v52;
	v31 =	vmul.f32 v53, v53  }
0xa3: {  	v47 =	vsub.f32 v2, v46;
	v28 =	vmul.f32 v54, v54;
	v35 =	vmul.f32 v55, v55  }
0xa4: {  	v46 =	vsub.f32 v1, v48;
	v33 =	vmul.f32 v56, v56;
	v34 =	vmul.f32 v57, v57  }
0xa5: {  	v48 =	vsub.f32 v1, v50;
	v32 =	vmul.f32 v58, v58;
	v38 =	vmul.f32 v59, v59  }
0xa6: {  	s16 =	simm.s32 $0x40;
	v50 =	vsub.f32 v2, v51;
	v37 =	vmul.f32 v60, v60;
	v36 =	vmul.f32 v61, v61  }
.LBB2_5:
0xa7: {  	p0 =	sne.s32 s16, $0x7FC0;
	v21 =	vsub.f32 v1, v21;
	v40 =	vmul.f32 v40, v40;
	v41 =	vmul.f32 v41, v41  }
0xa8: {  	v22 =	vsub.f32 v2, v22;
	v42 =	vmul.f32 v42, v42;
	v43 =	vmul.f32 v43, v43  }
0xa9: {  	v23 =	vsub.f32 v1, v23;
	v44 =	vmul.f32 v44, v44;
	v45 =	vmul.f32 v45, v45  }
0xaa: {  	v24 =	vsub.f32 v2, v24;
	v47 =	vmul.f32 v47, v47;
	v39 =	vmul.f32 v39, v39  }
0xab: {  	v25 =	vsub.f32 v1, v25;
	v49 =	vmul.f32 v49, v49;
	v46 =	vmul.f32 v46, v46  }
0xac: {  	v51 =	vsub.f32 v2, v19;
	v48 =	vmul.f32 v48, v48;
	v50 =	vmul.f32 v50, v50  }
0xad: {  	v52 =	vsub.f32 v1, v20;
	v53 =	vmul.f32 v22, v22;
	v54 =	vmul.f32 v21, v21  }
0xae: {  	v21 =	vsub.f32 v1, v29;
	v24 =	vmul.f32 v24, v24;
	v29 =	vmul.f32 v23, v23  }
0xaf: {  	v27 =	vbroadcast v27, $0x0;
	v20 =	vadd.f32 v35, v30;
	v19 =	vadd.f32 v31, v26  }
0xb0: {  	v22 =	vadd.f32 v38, v33;
	v26 =	vmul.f32 v21, v21;
	v21 =	vadd.f32 v34, v28  }
0xb1: {  	v30 =	vadd.f32 v41, v37;
	v23 =	vadd.f32 v36, v32;
	v28 =	vmul.f32 v51, v51  }
0xb2: {  	v31 =	vadd.f32 v43, v40;
	v26 =	vadd.f32 v26, v27;
	v27 =	vmul.f32 v52, v52  }
0xb3: {  	v25 =	vmul.f32 v25, v25;
	v32 =	vadd.f32 v39, v44;
	v33 =	vadd.f32 v45, v42  }
0xb4: {  	v34 =	vmul.f32 $-2.000000000e+00, v26;
	v27 =	vadd.f32 v27, v28;
	v28 =	vadd.f32 v46, v47  }
0xb5: {  	v35 =	vmul.f32 $-2.000000000e+00, v20;
	v25 =	vadd.f32 v25, v24;
	v24 =	vmul.f32 $-2.000000000e+00, v19  }
0xb6: {  	v37 =	vadd.f32 v48, v49;
	v34 =	vmul.f32 $1.442695020e+00, v34;
	v36 =	vmul.f32 $-2.000000000e+00, v27  }
0xb7: {  	v29 =	vadd.f32 v29, v53;
	v38 =	vmul.f32 $-2.000000000e+00, v25;
	v39 =	vmul.f32 $-2.000000000e+00, v21  }
0xb8: {  	v40 =	vadd.f32 v54, v50;
	v36 =	vmul.f32 $1.442695020e+00, v36;
	(erf) = vpow2.f32 v34  }
0xb9: {  	vm0 =	vle.f32 v30, v3;
	v41 =	vmul.f32 $-2.000000000e+00, v22;
	v34 =	vmul.f32 $-2.000000000e+00, v29  }
0xba: {  	vm1 =	vle.f32 v31, v3;
	v38 =	vmul.f32 $1.442695020e+00, v38;
	(erf) = vpow2.f32 v36  }
0xbb: {  	vm2 =	vle.f32 v33, v3;
	v42 =	vmul.f32 $-2.000000000e+00, v23;
	v36 =	vmul.f32 $-2.000000000e+00, v40  }
0xbc: {  	vm3 =	vle.f32 v32, v3;
	v34 =	vmul.f32 $1.442695020e+00, v34;
	(erf) = vpow2.f32 v38  }
0xbd: {  	v30 =	vmul.f32 $-2.000000000e+00, v30;
	vm4 =	vle.f32 v28, v3;
	v38 =	vmul.f32 $-2.000000000e+00, v37  }
0xbe: {  	vm5 =	vle.f32 v37, v3;
	v36 =	vmul.f32 $1.442695020e+00, v36;
	(erf) = vpow2.f32 v34  }
0xbf: {  	v31 =	vmul.f32 $-2.000000000e+00, v31;
	vm6 =	vle.f32 v40, v3;
	v28 =	vmul.f32 $-2.000000000e+00, v28  }
0xc0: {  	vm7 =	vle.f32 v29, v3;
	v34 =	vmul.f32 $1.442695020e+00, v38;
	(erf) = vpow2.f32 v36  }
0xc1: {  	vm9 =	vle.f32 v25, v3;
	v25 =	vmul.f32 $-2.000000000e+00, v32;
	vm8 =	vle.f32 v26, v3;
	v26 =	vpop (erf)  }
0xc2: {  	v28 =	vmul.f32 $1.442695020e+00, v28;
	v26 =	vnsel vm8, $0x0, v26;
	(erf) = vpow2.f32 v34  }
0xc3: {  	vm8 =	vle.f32 v27, v3;
	v27 =	vmul.f32 $-2.000000000e+00, v33;
	v17 =	vmul.f32 v26, v17;
	v29 =	vpop (erf)  }
0xc4: {  	v25 =	vmul.f32 $1.442695020e+00, v25;
	v29 =	vnsel vm8, $0x0, v29;
	(erf) = vpow2.f32 v28  }
0xc5: {  	v28 =	vadd.f32 v26, v18;
	v15 =	vadd.f32 v17, v15;
	v16 =	vmul.f32 v29, v16;
	v18 =	vpop (erf)  }
0xc6: {  	v26 =	vmul.f32 $1.442695020e+00, v27;
	v18 =	vnsel vm9, $0x0, v18;
	(erf) = vpow2.f32 v25  }
0xc7: {  	v27 =	vadd.f32 v28, v29;
	v15 =	vadd.f32 v15, v16;
	v14 =	vmul.f32 v18, v14;
	v17 =	vpop (erf)  }
0xc8: {  	v25 =	vmul.f32 $1.442695020e+00, v31;
	v17 =	vnsel vm7, $0x0, v17;
	(erf) = vpow2.f32 v26  }
0xc9: {  	v26 =	vadd.f32 v27, v18;
	v14 =	vadd.f32 v15, v14;
	v13 =	vmul.f32 v17, v13;
	v16 =	vpop (erf)  }
0xca: {  	v18 =	vmul.f32 $1.442695020e+00, v30;
	v16 =	vnsel vm6, $0x0, v16;
	(erf) = vpow2.f32 v25  }
0xcb: {  	v25 =	vadd.f32 v26, v17;
	v13 =	vadd.f32 v14, v13;
	v12 =	vmul.f32 v16, v12;
	v15 =	vpop (erf)  }
0xcc: {  	v17 =	vmul.f32 $1.442695020e+00, v42;
	v15 =	vnsel vm5, $0x0, v15;
	(erf) = vpow2.f32 v18  }
0xcd: {  	v18 =	vadd.f32 v25, v16;
	v12 =	vadd.f32 v13, v12;
	v11 =	vmul.f32 v15, v11;
	v14 =	vpop (erf)  }
0xce: {  	v16 =	vmul.f32 $1.442695020e+00, v41;
	v14 =	vnsel vm4, $0x0, v14;
	(erf) = vpow2.f32 v17  }
0xcf: {  	v17 =	vadd.f32 v18, v15;
	v11 =	vadd.f32 v12, v11;
	v10 =	vmul.f32 v14, v10;
	v13 =	vpop (erf)  }
0xd0: {  	v15 =	vmul.f32 $1.442695020e+00, v39;
	v13 =	vnsel vm3, $0x0, v13;
	(erf) = vpow2.f32 v16  }
0xd1: {  	v16 =	vadd.f32 v17, v14;
	v10 =	vadd.f32 v11, v10;
	v9 =	vmul.f32 v13, v9;
	v12 =	vpop (erf)  }
0xd2: {  	v14 =	vmul.f32 $1.442695020e+00, v35;
	v12 =	vnsel vm2, $0x0, v12;
	(erf) = vpow2.f32 v15  }
0xd3: {  	v15 =	vadd.f32 v16, v13;
	v9 =	vadd.f32 v10, v9;
	v8 =	vmul.f32 v12, v8;
	v11 =	vpop (erf)  }
0xd4: {  	v13 =	vmul.f32 $1.442695020e+00, v24;
	v11 =	vnsel vm1, $0x0, v11;
	(erf) = vpow2.f32 v14  }
0xd5: {  	v12 =	vadd.f32 v15, v12;
	v8 =	vadd.f32 v9, v8;
	v7 =	vmul.f32 v11, v7;
	v10 =	vpop (erf)  }
0xd6: {  	v10 =	vnsel vm0, $0x0, v10;
	vm0 =	vle.f32 v23, v3;
	(erf) = vpow2.f32 v13  }
0xd7: {  	v12 =	vadd.f32 v12, v11;
	v7 =	vadd.f32 v8, v7;
	v6 =	vmul.f32 v10, v6;
	v9 =	vpop (erf)  }
0xd8: {  	v11 =	vbroadcast v4, $0xC;
	v9 =	vnsel vm0, $0x0, v9;
	vm0 =	vle.f32 v22, v3  }
0xd9: {  	v6 =	vadd.f32 v7, v6;
	v7 =	vadd.f32 v12, v10;
	v5 =	vmul.f32 v9, v5;
	v8 =	vpop (erf)  }
0xda: {  	s17 =	sshra.s32 s16, $0x2;
	v10 =	vbroadcast v4, $0xD;
	v8 =	vnsel vm0, $0x0, v8;
	vm0 =	vle.f32 v21, v3  }
0xdb: {  	v12 =	vld [tilespmem:s17+$0x4000];
	v5 =	vadd.f32 v6, v5;
	v6 =	vadd.f32 v7, v9;
	v7 =	vmul.f32 v8, v11;
	v9 =	vpop (erf)  }
0xdc: {  	v11 =	vbroadcast v4, $0xE;
	v9 =	vnsel vm0, $0x0, v9;
	vm0 =	vle.f32 v20, v3  }
0xdd: {  	v5 =	vadd.f32 v5, v7;
	v6 =	vadd.f32 v6, v8;
	v7 =	vmul.f32 v9, v10;
	v8 =	vpop (erf)  }
0xde: {  	v10 =	vbroadcast v4, $0xF;
	v8 =	vnsel vm0, $0x0, v8;
	vm0 =	vle.f32 v19, v3  }
0xdf: {  	v7 =	vadd.f32 v5, v7;
	v6 =	vadd.f32 v6, v9;
	v9 =	vmul.f32 v8, v11;
	v4 =	vpop (erf)  }
0xe0: {  	v19 =	vld [tilespmem:s17+$0x0];
	v5 =	vbroadcast v12, $0xB;
	v11 =	vnsel vm0, $0x0, v4;
	v4 =	vmov v12  }
0xe1: {  	v26 =	vld [tilespmem:s17+$0x2000];
	v9 =	vadd.f32 v7, v9;
	v12 =	vadd.f32 v6, v8;
	v10 =	vmul.f32 v11, v10  }
0xe2: {  	v7 =	vbroadcast v4, $0x9;
	v6 =	vbroadcast v4, $0xA  }
0xe3: {  	v8 =	vbroadcast v4, $0x8;
	v15 =	vadd.f32 v9, v10;
	v18 =	vadd.f32 v12, v11  }
0xe4: {  	v10 =	vbroadcast v4, $0x6;
	v9 =	vbroadcast v4, $0x7  }
0xe5: {  	v11 =	vbroadcast v4, $0x5;
	v20 =	vbroadcast v19, $0xF  }
0xe6: {  	v12 =	vbroadcast v4, $0x4;
	v22 =	vbroadcast v26, $0xF  }
0xe7: {  	v23 =	vbroadcast v19, $0xE;
	v24 =	vbroadcast v26, $0xE  }
0xe8: {  	v13 =	vbroadcast v4, $0x3;
	v25 =	vbroadcast v19, $0xD  }
0xe9: {  	v14 =	vbroadcast v4, $0x2;
	v27 =	vbroadcast v26, $0xD  }
0xea: {  	v28 =	vbroadcast v19, $0xC;
	v29 =	vbroadcast v26, $0xC  }
0xeb: {  	v16 =	vbroadcast v4, $0x1;
	v30 =	vbroadcast v19, $0xB  }
0xec: {  	v17 =	vbroadcast v4, $0x0;
	v31 =	vbroadcast v26, $0xB  }
0xed: {  	v32 =	vbroadcast v19, $0xA;
	v33 =	vbroadcast v26, $0xA  }
0xee: {  	v34 =	vbroadcast v19, $0x9;
	v35 =	vbroadcast v26, $0x9  }
0xef: {  	v36 =	vbroadcast v19, $0x8;
	v37 =	vbroadcast v26, $0x8  }
0xf0: {  	v38 =	vbroadcast v19, $0x7;
	v39 =	vbroadcast v26, $0x7  }
0xf1: {  	v46 =	vbroadcast v19, $0x6;
	v48 =	vbroadcast v26, $0x6  }
0xf2: {  	v49 =	vbroadcast v19, $0x5;
	v50 =	vbroadcast v26, $0x5  }
0xf3: {  	v47 =	vsub.f32 v2, v19;
	v51 =	vbroadcast v19, $0x4;
	v52 =	vsub.f32 v2, v20  }
0xf4: {  	v21 =	vbroadcast v26, $0x4;
	v53 =	vsub.f32 v2, v23;
	v54 =	vsub.f32 v1, v22  }
0xf5: {  	v55 =	vsub.f32 v2, v25;
	v22 =	vbroadcast v19, $0x3;
	v56 =	vsub.f32 v1, v24  }
0xf6: {  	v23 =	vbroadcast v26, $0x3;
	v57 =	vsub.f32 v2, v28;
	v58 =	vsub.f32 v1, v27  }
0xf7: {  	v59 =	vsub.f32 v2, v30;
	v24 =	vbroadcast v19, $0x2;
	v60 =	vsub.f32 v1, v29  }
0xf8: {  	v25 =	vbroadcast v26, $0x2;
	v61 =	vsub.f32 v2, v32;
	v62 =	vsub.f32 v1, v31  }
0xf9: {  	v40 =	vsub.f32 v2, v34;
	v19 =	vbroadcast v19, $0x1;
	v41 =	vsub.f32 v1, v33  }
0xfa: {  	v20 =	vbroadcast v26, $0x1;
	v42 =	vsub.f32 v2, v36;
	v43 =	vsub.f32 v1, v35  }
0xfb: {  	v44 =	vsub.f32 v2, v38;
	v29 =	vbroadcast v26, $0x0;
	v45 =	vsub.f32 v1, v37  }
0xfc: {  	v27 =	vmul.f32 v47, v47;
	v39 =	vsub.f32 v1, v39;
	v26 =	vmul.f32 v52, v52  }
.Ltmp1:
0xfd: {  	v47 =	vsub.f32 v2, v46;
	v30 =	vmul.f32 v53, v53;
	v31 =	vmul.f32 v54, v54;
	(pc) =	sbr.rel @p0 .LBB2_5-.Ltmp1, $4  }
0xfe: {  	v46 =	vsub.f32 v1, v48;
	v28 =	vmul.f32 v55, v55;
	v35 =	vmul.f32 v56, v56  }
0xff: {  	v49 =	vsub.f32 v2, v49;
	v33 =	vmul.f32 v57, v57;
	v34 =	vmul.f32 v58, v58  }
0x100: {  	v48 =	vsub.f32 v1, v50;
	v32 =	vmul.f32 v59, v59;
	v38 =	vmul.f32 v60, v60  }
0x101: {  	s16 =	sadd.s32 $0x40, s16;
	v50 =	vsub.f32 v2, v51;
	v37 =	vmul.f32 v61, v61;
	v36 =	vmul.f32 v62, v62  }
0x102: {  	v21 =	vsub.f32 v1, v21;
	v40 =	vmul.f32 v40, v40;
	v41 =	vmul.f32 v41, v41  }
0x103: {  	v22 =	vsub.f32 v2, v22;
	v42 =	vmul.f32 v42, v42;
	v43 =	vmul.f32 v43, v43  }
0x104: {  	v23 =	vsub.f32 v1, v23;
	v44 =	vmul.f32 v44, v44;
	v45 =	vmul.f32 v45, v45  }
0x105: {  	v24 =	vsub.f32 v2, v24;
	v47 =	vmul.f32 v47, v47;
	v39 =	vmul.f32 v39, v39  }
0x106: {  	v25 =	vsub.f32 v1, v25;
	v49 =	vmul.f32 v49, v49;
	v46 =	vmul.f32 v46, v46  }
0x107: {  	v48 =	vmul.f32 v48, v48;
	v29 =	vsub.f32 v1, v29;
	v19 =	vsub.f32 v2, v19  }
0x108: {  	v20 =	vsub.f32 v1, v20;
	v27 =	vbroadcast v27, $0x0;
	v2 =	vadd.f32 v35, v30  }
0x109: {  	v1 =	vadd.f32 v31, v26;
	v50 =	vmul.f32 v50, v50;
	v29 =	vmul.f32 v29, v29  }
0x10a: {  	v26 =	vadd.f32 v36, v32;
	v22 =	vmul.f32 v22, v22;
	v21 =	vmul.f32 v21, v21  }
0x10b: {  	v59 =	vmul.f32 v19, v19;
	v20 =	vmul.f32 v20, v20;
	v27 =	vadd.f32 v29, v27  }
0x10c: {  	v24 =	vmul.f32 v24, v24;
	v19 =	vadd.f32 v34, v28;
	v25 =	vmul.f32 v25, v25  }
0x10d: {  	v28 =	vadd.f32 v41, v37;
	v20 =	vadd.f32 v20, v59;
	v60 =	vmul.f32 $-2.000000000e+00, v27  }
0x10e: {  	v23 =	vmul.f32 v23, v23;
	v32 =	vmul.f32 $-2.000000000e+00, v2;
	v24 =	vadd.f32 v25, v24  }
0x10f: {  	v63 =	vadd.f32 v39, v44;
	v61 =	vmul.f32 $-2.000000000e+00, v20;
	v30 =	vmul.f32 $1.442695020e+00, v60  }
0x110: {  	v45 =	vadd.f32 v45, v42;
	v22 =	vadd.f32 v23, v22;
	v62 =	vmul.f32 $-2.000000000e+00, v24  }
0x111: {  	v48 =	vadd.f32 v48, v49;
	v31 =	vmul.f32 $1.442695020e+00, v61;
	(erf) = vpow2.f32 v30  }
0x112: {  	v54 =	vmul.f32 $-2.000000000e+00, v26;
	v21 =	vadd.f32 v21, v50;
	v44 =	vmul.f32 $-2.000000000e+00, v22  }
0x113: {  	v29 =	vadd.f32 v38, v33;
	v33 =	vmul.f32 $1.442695020e+00, v62;
	(erf) = vpow2.f32 v31  }
0x114: {  	v51 =	vadd.f32 v46, v47;
	v49 =	vmul.f32 $-2.000000000e+00, v19;
	v50 =	vmul.f32 $-2.000000000e+00, v21  }
0x115: {  	v25 =	vadd.f32 v43, v40;
	v34 =	vmul.f32 $1.442695020e+00, v44;
	(erf) = vpow2.f32 v33  }
0x116: {  	v53 =	vmul.f32 $-2.000000000e+00, v48;
	vm1 =	vle.f32 v45, v3;
	v55 =	vmul.f32 $-2.000000000e+00, v51  }
0x117: {  	vm2 =	vle.f32 v63, v3;
	v37 =	vmul.f32 $1.442695020e+00, v50;
	(erf) = vpow2.f32 v34  }
0x118: {  	vm3 =	vle.f32 v51, v3;
	v57 =	vmul.f32 $-2.000000000e+00, v28;
	v23 =	vmul.f32 $-2.000000000e+00, v63  }
0x119: {  	vm8 =	vle.f32 v48, v3;
	v56 =	vmul.f32 $1.442695020e+00, v53;
	(erf) = vpow2.f32 v37  }
0x11a: {  	v47 =	vmul.f32 $1.442695020e+00, v32;
	vm0 =	vle.f32 v25, v3;
	vm4 =	vle.f32 v27, v3;
	v58 =	vpop (erf)  }
0x11b: {  	v59 =	vmul.f32 $1.442695020e+00, v55;
	(erf) = vpow2.f32 v56;
	v27 =	vnsel vm4, $0x0, v58  }
0x11c: {  	vm14 =	vle.f32 v20, v3;
	v23 =	vmul.f32 $1.442695020e+00, v23;
	v61 =	vpop (erf);
	v18 =	vadd.f32 v27, v18  }
0x11d: {  	v60 =	vmul.f32 $-2.000000000e+00, v45;
	(erf) = vpow2.f32 v59;
	v35 =	vnsel vm14, $0x0, v61  }
0x11e: {  	v25 =	vmul.f32 $-2.000000000e+00, v25;
	vm15 =	vle.f32 v24, v3;
	v62 =	vpop (erf);
	v18 =	vadd.f32 v18, v35  }
0x11f: {  	v20 =	vmul.f32 $1.442695020e+00, v60;
	(erf) = vpow2.f32 v23;
	v24 =	vnsel vm15, $0x0, v62  }
0x120: {  	v41 =	vmul.f32 $1.442695020e+00, v54;
	vm5 =	vle.f32 v22, v3;
	v63 =	vpop (erf);
	v18 =	vadd.f32 v18, v24  }
0x121: {  	v31 =	vmul.f32 $1.442695020e+00, v25;
	(erf) = vpow2.f32 v20;
	v22 =	vnsel vm5, $0x0, v63  }
0x122: {  	vm9 =	vle.f32 v21, v3;
	v39 =	vmul.f32 $1.442695020e+00, v57;
	v38 =	vpop (erf);
	v18 =	vadd.f32 v18, v22  }
0x123: {  	v17 =	vmul.f32 v27, v17;
	(erf) = vpow2.f32 v31;
	v20 =	vnsel vm9, $0x0, v38  }
0x124: {  	v52 =	vmul.f32 $-2.000000000e+00, v29;
	v16 =	vmul.f32 v35, v16;
	v40 =	vpop (erf);
	v18 =	vadd.f32 v18, v20  }
0x125: {  	v15 =	vadd.f32 v17, v15;
	(erf) = vpow2.f32 v39;
	v17 =	vnsel vm8, $0x0, v40  }
0x126: {  	v43 =	vmul.f32 $1.442695020e+00, v52;
	v14 =	vmul.f32 v24, v14;
	v42 =	vpop (erf);
	v18 =	vadd.f32 v18, v17  }
0x127: {  	v15 =	vadd.f32 v15, v16;
	(erf) = vpow2.f32 v41;
	v16 =	vnsel vm3, $0x0, v42  }
0x128: {  	v45 =	vmul.f32 $1.442695020e+00, v49;
	v13 =	vmul.f32 v22, v13;
	v44 =	vpop (erf);
	v18 =	vadd.f32 v18, v16  }
0x129: {  	v14 =	vadd.f32 v15, v14;
	(erf) = vpow2.f32 v43;
	v15 =	vnsel vm2, $0x0, v44  }
0x12a: {  	v30 =	vmul.f32 $-2.000000000e+00, v1;
	v12 =	vmul.f32 v20, v12;
	v46 =	vpop (erf);
	v18 =	vadd.f32 v18, v15  }
0x12b: {  	v13 =	vadd.f32 v14, v13;
	(erf) = vpow2.f32 v45;
	v14 =	vnsel vm1, $0x0, v46  }
0x12c: {  	v50 =	vmul.f32 $1.442695020e+00, v30;
	v11 =	vmul.f32 v17, v11;
	v48 =	vpop (erf);
	v49 =	vadd.f32 v18, v14  }
0x12d: {  	v12 =	vadd.f32 v13, v12;
	(erf) = vpow2.f32 v47;
	v13 =	vnsel vm0, $0x0, v48  }
0x12e: {  	vm10 =	vle.f32 v28, v3;
	v10 =	vmul.f32 v16, v10;
	v51 =	vpop (erf);
	v17 =	vadd.f32 v49, v13  }
0x12f: {  	v11 =	vadd.f32 v12, v11;
	(erf) = vpow2.f32 v50;
	v12 =	vnsel vm10, $0x0, v51  }
0x130: {  	vm11 =	vle.f32 v26, v3;
	v52 =	vpop (erf);
	v17 =	vadd.f32 v17, v12  }
0x131: {  	v9 =	vmul.f32 v15, v9;
	v10 =	vadd.f32 v11, v10;
	v53 =	vnsel vm11, $0x0, v52  }
0x132: {  	vm12 =	vle.f32 v29, v3;
	v54 =	vpop (erf);
	v16 =	vadd.f32 v17, v53  }
0x133: {  	v8 =	vmul.f32 v14, v8;
	v9 =	vadd.f32 v10, v9;
	v55 =	vnsel vm12, $0x0, v54  }
0x134: {  	vm13 =	vle.f32 v19, v3;
	v56 =	vpop (erf);
	v15 =	vadd.f32 v16, v55  }
0x135: {  	v7 =	vmul.f32 v13, v7;
	v8 =	vadd.f32 v9, v8;
	v57 =	vnsel vm13, $0x0, v56  }
0x136: {  	vm14 =	vle.f32 v2, v3;
	v2 =	vpop (erf);
	v58 =	vadd.f32 v15, v57  }
0x137: {  	v6 =	vmul.f32 v12, v6;
	v7 =	vadd.f32 v8, v7;
	v2 =	vnsel vm14, $0x0, v2  }
0x138: {  	v59 =	vbroadcast v4, $0xC;
	vm15 =	vle.f32 v1, v3;
	v1 =	vpop (erf);
	v3 =	vadd.f32 v58, v2  }
0x139: {  	v5 =	vmul.f32 v53, v5;
	v6 =	vadd.f32 v7, v6;
	v1 =	vnsel vm15, $0x0, v1  }
0x13a: {  	v3 =	vadd.f32 v3, v1  }
0x13b: {  	v60 =	vbroadcast v4, $0xD;
	v61 =	vmul.f32 v55, v59;
	v5 =	vadd.f32 v6, v5  }
0x13c: {  	(erf) = vrcp.f32 v3  }
0x13d: {  	v62 =	vmul.f32 v57, v60;
	v5 =	vadd.f32 v5, v61;
	v3 =	vbroadcast v4, $0xE;
	_ =	sdelay $0x1  }
0x13e: {  	v5 =	vadd.f32 v5, v62;
	v2 =	vmul.f32 v2, v3  }
0x13f: {  	v63 =	vbroadcast v4, $0xF  }
0x140: {  	v2 =	vadd.f32 v5, v2  }
0x141: {  	s14 =	sadd.s32 $0x1, s14;
	v1 =	vmul.f32 v1, v63  }
0x142: {  	p0 =	sne.s32 s14, $0x1C  }
.Ltmp2:
0x143: {  	v1 =	vadd.f32 v2, v1;
	(pc) =	sbr.rel @p0 .LBB2_2-.Ltmp2, $3  }
0x144: {  	v2 =	vpop (erf)  }
0x145: {  	v1 =	vmul.f32 v2, v1;
	_ =	sdelay $0x1  }
0x146: {  	[tilespmem:s15+$0x6000] =	vst v1  }
0x147: {  	s13 =	sadd.s32 $0x1, s13  }
0x148: {  	p0 =	sne.s32 s13, s8  }
.Ltmp3:
0x149: {  	_ = 	snop;
	(pc) =	sbr.rel @p0 .LBB2_1-.Ltmp3, $4  }
0x14a: {  	[hbm4b:s7+s2] =	stream.linear.scatter [tilespmem:s12], [sflag:$0x1], $0x1C0, $0x38;
	[tilespmem:$0x6200] =	vst v63  }
0x14b: {  	_ =	swait.ge [sflag:s9], $0x1C0  }
0x14c: {  	[sflag:s9] =	ssyncset.done $0x0  }
0x14d: {  	[sflag:s9] =	ssyncadd.s32 $0xFFFFFE40  }
0x14e: {  	_ =	sfence.sel $0x180000  }
0x14f: {  	[bflag:$0x0] =	sbarrier.arrive $0xFFFF  }
0x150: {  	p0 =	sne.s32 s1, $0x0;
	_ =	strace $0x90000047  }
0x151: {  	s0 =	sadd.s32 @!p0 $0x100000, s0;
	[bflag:$0x2] =	sbarrier.arrive $0xFFFF  }
0x152: {  	[sflag:s0] =	ssyncadd.tile.s32 @!p0 $0x1;
	_ =	shalt  }
.Lfunc_end2:
_tile_overlayer_lowered:
.L_overlay_start_2:
0x153: {  	(tag) =	ssettag $0x2  }
0x154: {  	s0 =	rddreg [dreg:$0x0];
	s2 =	stileid.u32  }
0x155: {  	s1 =	rddreg [dreg:$0x1];
	p0 =	sne.s32 s2, $0x0  }
0x156: {  	s3 =	rddreg [dreg:$0x2];
	[bflag:$0x3] =	sbarrier.arrive $0xFFFF;
	s2 =	simm.s32 @!p0 $0x1C01  }
0x157: {  	[timem:s3], [sflag:s2] =	dma.local @!p0 [hbm:s0], s1  }
0x158: {  	s0 =	simm.s32 @!p0 $0x1  }
0x159: {  	_ =	swait.ge @!p0 [sflag:s0], s1  }
0x15a: {  	s1 =	ssub.s32 @!p0 $0x0, s1;
	[sflag:s0] =	ssyncset.done @!p0 $0x0  }
0x15b: {  	[sflag:s0] =	ssyncadd.s32 @!p0 s1  }
0x15c: {  	[bflag:$0x3] =	sbarrier.arrive $0xFFFF  }
0x15d: {  	_ =	shalt  }

</sc_bundles>
